<compile_context>
chip_gen: v7x
topology: tpu7x:2x2x1
jax: 0.10.2.dev20260603
libtpu: 0.0.44.dev20260713+nightly
codegen_flags: <defaults>
</compile_context>

<pallas_src>
import functools

import jax
import jax.numpy as jnp
from jax import lax
from jax.experimental import pallas as pl
from jax.experimental.pallas import tpu as pltpu
from jax.experimental.pallas import tpu_sc as plsc

_B = 16384
_NS = 20
_D = 128
_C = 128
_NBUF = 6
_L = 16


@functools.cache
def _build_gather_kernel():
  info = plsc.get_sparse_core_info()
  nc, nsub = info.num_cores, info.num_subcores
  nw = nc * nsub

  n_small = _B // nw
  n_noise = (_B * _NS) // nw
  nch_small = n_small // _C
  nch_noise = n_noise // _C
  nch = 2 * nch_small + nch_noise
  nfull = nch // _NBUF
  nrem = nch % _NBUF
  g_noise = 2 * nch_small
  assert nrem < _NBUF and nfull * _NBUF + nrem == nch
  assert (nfull - 1) * _NBUF + _NBUF - 1 >= g_noise

  mesh = plsc.VectorSubcoreMesh(core_axis_name="c", subcore_axis_name="s")

  @functools.partial(
      pl.kernel,
      out_type=[
          jax.ShapeDtypeStruct((_B, _D), jnp.float32),
          jax.ShapeDtypeStruct((_B, _D), jnp.float32),
          jax.ShapeDtypeStruct((_B * _NS, _D), jnp.float32),
      ],
      mesh=mesh,
      scratch_types=(
          [pltpu.VMEM((nch_noise, _C), jnp.int32),
           pltpu.VMEM((nch_noise, _C), jnp.int32),
           pltpu.VMEM((2 * nch_small, _C), jnp.int32)]
          + [pltpu.VMEM((_C, _D), jnp.float32) for _ in range(_NBUF)]
          + [pltpu.SemaphoreType.DMA for _ in range(2 * _NBUF + 1)]
      ),
  )
  def gather_kernel(iw_hbm, ow_hbm, nw_hbm, ie_hbm, oe_hbm, o1, o2, o3, *scr):
    idxrows = scr[0]
    outrows = scr[1]
    sidx = scr[2]
    rows = scr[3:3 + _NBUF]
    gsem = scr[3 + _NBUF:3 + 2 * _NBUF]
    wsem = scr[3 + 2 * _NBUF:3 + 3 * _NBUF]
    nsem = scr[3 + 3 * _NBUF]
    wid = lax.axis_index("s") * nc + lax.axis_index("c")
    lanes = lax.iota(jnp.int32, _L)

    pltpu.async_copy(nw_hbm.at[pl.ds(wid * nch_noise, nch_noise)], idxrows,
                     nsem)
    pltpu.sync_copy(iw_hbm.at[pl.ds(wid * nch_small, nch_small)],
                    sidx.at[pl.ds(0, nch_small)])
    pltpu.sync_copy(ow_hbm.at[pl.ds(wid * nch_small, nch_small)],
                    sidx.at[pl.ds(nch_small, nch_small)])

    def orow(r, carry):
      nvec, bvec = carry
      for j in range(_C // _L):
        outrows[r, pl.ds(j * _L, _L)] = nvec * _B + bvec
        nxt = nvec + _L
        wrap = nxt >= _NS
        nvec = jnp.where(wrap, nxt - _NS, nxt)
        bvec = jnp.where(wrap, bvec + 1, bvec)
      return (nvec, bvec)

    lax.fori_loop(0, nch_noise, orow,
                  (lanes, jnp.full((_L,), wid * (_B // nw), jnp.int32)))

    def issue_gather_dyn(gg, b):
      @pl.when(gg < g_noise)
      def _():
        pltpu.async_copy(oe_hbm.at[sidx.at[gg]], rows[b], gsem[b])

      @pl.when(gg >= g_noise)
      def _():
        pltpu.async_copy(oe_hbm.at[idxrows.at[gg - g_noise]], rows[b], gsem[b])

    def wait_gather(b):
      pltpu.make_async_copy(oe_hbm.at[idxrows.at[0]], rows[b], gsem[b]).wait()

    def start_write(gg, b):
      @pl.when(gg < nch_small)
      def _():
        pltpu.async_copy(rows[b],
                         o1.at[pl.ds(wid * n_small + gg * _C, _C)], wsem[b])

      @pl.when(jnp.logical_and(gg >= nch_small, gg < g_noise))
      def _():
        pltpu.async_copy(
            rows[b],
            o2.at[pl.ds(wid * n_small + (gg - nch_small) * _C, _C)], wsem[b])

      @pl.when(gg >= g_noise)
      def _():
        pltpu.async_copy(rows[b], o3.at[outrows.at[gg - g_noise]], wsem[b])

    def wait_write(gg, b):
      @pl.when(gg < g_noise)
      def _():
        pltpu.make_async_copy(rows[b], o1.at[pl.ds(wid * n_small, _C)],
                              wsem[b]).wait()

      @pl.when(gg >= g_noise)
      def _():
        pltpu.make_async_copy(rows[b], o3.at[outrows.at[0]], wsem[b]).wait()

    for g in range(_NBUF):
      tab = ie_hbm if g < nch_small else oe_hbm
      pltpu.async_copy(tab.at[sidx.at[g]], rows[g], gsem[g])
    pltpu.make_async_copy(nw_hbm.at[pl.ds(wid * nch_noise, nch_noise)],
                          idxrows, nsem).wait()

    def step(s, carry):
      for b in range(_NBUF):
        g = s * _NBUF + b
        wait_gather(b)
        start_write(g, b)

        @pl.when(g + _NBUF < nch)
        def _():
          wait_write(g, b)
          issue_gather_dyn(g + _NBUF, b)

      return carry

    lax.fori_loop(0, nfull, step, 0)
    for b in range(nrem):
      g = nfull * _NBUF + b
      wait_gather(b)
      pltpu.async_copy(rows[b], o3.at[outrows.at[g - g_noise]], wsem[b])
    for b in range(_NBUF):
      g = nfull * _NBUF + b if b < nrem else (nfull - 1) * _NBUF + b
      pltpu.make_async_copy(rows[b], o3.at[outrows.at[g - g_noise]],
                            wsem[b]).wait()

  return gather_kernel


def kernel(input_words, output_words, noise_words, in_embeddings, out_embeddings):
  gather = _build_gather_kernel()
  o1, o2, o3 = gather(
      input_words.astype(jnp.int32).reshape(-1, _C),
      output_words.astype(jnp.int32).reshape(-1, _C),
      noise_words.astype(jnp.int32).reshape(-1, _C),
      in_embeddings,
      out_embeddings,
  )
  return (o1, o2, jnp.swapaxes(o3.reshape(_NS, _B, _D), 0, 1))

# --- scband reference (transcript-rebuilt; emitter-appended) ---
"""Pipeline reference for scband-skip-gram-ns-82798379533073 (READ-ONLY COPY).

The authoritative reference and input builder live on the scoring server;
editing this copy changes nothing except your own understanding.
"""

import jax, jax.numpy as jnp
import numpy as np

B = 16384
NS = 20
V = 100000
D = 128

def setup_inputs(seed: int = 0) -> dict:
    key = jax.random.key(seed)
    k1, k2, k3, k4, k5 = jax.random.split(key, 5)
    input_words = jax.random.randint(k1, (B,), 0, V, dtype=jnp.int64) if jax.config.jax_enable_x64 else jax.random.randint(k1, (B,), 0, V).astype(jnp.int32)
    output_words = jax.random.randint(k2, (B,), 0, V).astype(input_words.dtype)
    noise_words = jax.random.randint(k3, (B * NS,), 0, V).astype(input_words.dtype)
    in_embeddings = jax.random.uniform(k4, (V, D), dtype=jnp.float32, minval=-1.0, maxval=1.0)
    out_embeddings = jax.random.uniform(k5, (V, D), dtype=jnp.float32, minval=-1.0, maxval=1.0)
    return {
        'input_words': input_words,
        'output_words': output_words,
        'noise_words': noise_words,
        'in_embeddings': in_embeddings,
        'out_embeddings': out_embeddings,
    }

def reference(input_words, output_words, noise_words, in_embeddings, out_embeddings):
    # forward_input: in_embeddings lookup
    input_vectors = jnp.take(in_embeddings, input_words, axis=0)
    # forward_output: out_embeddings lookup
    output_vectors = jnp.take(out_embeddings, output_words, axis=0)
    # forward_noise: out_embeddings lookup on pre-sampled noise indices, reshaped
    noise_vectors = jnp.take(out_embeddings, noise_words, axis=0).reshape(B, NS, D)
    return (input_vectors, output_vectors, noise_vectors)

if __name__ == "__main__":
    import jax
    _d = setup_inputs()
    print(jax.jit(kernel)(*tuple(_d.values())))

</pallas_src>

<mosaic_0001>
#map = affine_map<(d0, d1) -> (0, 0)>
module attributes {stable_mosaic.version = 14 : i64} {
  func.func @gather_kernel(%arg0: i32, %arg1: i32, %arg2: memref<128x128xi32, #tpu.memory_space<hbm>>, %arg3: memref<128x128xi32, #tpu.memory_space<hbm>>, %arg4: memref<2560x128xi32, #tpu.memory_space<hbm>>, %arg5: memref<100000x128xf32, #tpu.memory_space<hbm>>, %arg6: memref<100000x128xf32, #tpu.memory_space<hbm>>, %arg7: memref<16384x128xf32, #tpu.memory_space<hbm>>, %arg8: memref<16384x128xf32, #tpu.memory_space<hbm>>, %arg9: memref<327680x128xf32, #tpu.memory_space<hbm>>, %arg10: memref<80x128xi32, #tpu.memory_space<vmem>>, %arg11: memref<80x128xi32, #tpu.memory_space<vmem>>, %arg12: memref<8x128xi32, #tpu.memory_space<vmem>>, %arg13: memref<128x128xf32, #tpu.memory_space<vmem>>, %arg14: memref<128x128xf32, #tpu.memory_space<vmem>>, %arg15: memref<128x128xf32, #tpu.memory_space<vmem>>, %arg16: memref<128x128xf32, #tpu.memory_space<vmem>>, %arg17: memref<128x128xf32, #tpu.memory_space<vmem>>, %arg18: memref<128x128xf32, #tpu.memory_space<vmem>>, %arg19: memref<!tpu.dma_semaphore, #tpu.memory_space<semaphore_mem>>, %arg20: memref<!tpu.dma_semaphore, #tpu.memory_space<semaphore_mem>>, %arg21: memref<!tpu.dma_semaphore, #tpu.memory_space<semaphore_mem>>, %arg22: memref<!tpu.dma_semaphore, #tpu.memory_space<semaphore_mem>>, %arg23: memref<!tpu.dma_semaphore, #tpu.memory_space<semaphore_mem>>, %arg24: memref<!tpu.dma_semaphore, #tpu.memory_space<semaphore_mem>>, %arg25: memref<!tpu.dma_semaphore, #tpu.memory_space<semaphore_mem>>, %arg26: memref<!tpu.dma_semaphore, #tpu.memory_space<semaphore_mem>>, %arg27: memref<!tpu.dma_semaphore, #tpu.memory_space<semaphore_mem>>, %arg28: memref<!tpu.dma_semaphore, #tpu.memory_space<semaphore_mem>>, %arg29: memref<!tpu.dma_semaphore, #tpu.memory_space<semaphore_mem>>, %arg30: memref<!tpu.dma_semaphore, #tpu.memory_space<semaphore_mem>>, %arg31: memref<!tpu.dma_semaphore, #tpu.memory_space<semaphore_mem>>) attributes {dimension_semantics = [#tpu.dimension_semantics<core_parallel>, #tpu.dimension_semantics<subcore_parallel>], iteration_bounds = array<i64: 2, 16>, scalar_prefetch = 0 : i64, scratch_operands = 22 : i64, tpu.core_type = #tpu.core_type<sc_vector_subcore>, window_params = [{transform_indices = #map}, {transform_indices = #map}, {transform_indices = #map}, {transform_indices = #map}, {transform_indices = #map}, {transform_indices = #map}, {transform_indices = #map}, {transform_indices = #map}]} {
    %mul3A = arith.constant 2 : i32
    %mul3A_0 = arith.muli %arg1, %mul3A : i32
    %add3A = arith.addi %mul3A_0, %arg0 : i32
    %iota3A = tpu.iota {dimensions = array<i32: 0>} : vector<16xi32>
    %mul3A_1 = arith.constant 80 : i32
    %mul3A_2 = arith.muli %add3A, %mul3A_1 : i32
    %dma_start3A = arith.constant 0 : i32
    %dma_start3A_3 = tpu.memref_slice %arg4[%mul3A_2, %dma_start3A] : memref<2560x128xi32, #tpu.memory_space<hbm>> -> memref<80x128xi32, #tpu.memory_space<hbm>>
    %dma_start3A_4 = arith.constant 0 : i32
    %dma_start3A_5 = tpu.memref_slice %arg4[%mul3A_2, %dma_start3A_4] : memref<2560x128xi32, #tpu.memory_space<hbm>> -> memref<80x128xi32, #tpu.memory_space<hbm>>
    tpu.enqueue_dma source(%dma_start3A_5 : memref<80x128xi32, #tpu.memory_space<hbm>>) target(%arg10 : memref<80x128xi32, #tpu.memory_space<vmem>>) target_semaphore(%arg31 : memref<!tpu.dma_semaphore, #tpu.memory_space<semaphore_mem>>)
    %mul3A_6 = arith.constant 4 : i32
    %mul3A_7 = arith.muli %add3A, %mul3A_6 : i32
    "tpu.region"() ({
      %run_scoped3A = tpu.sem_alloc : memref<!tpu.dma_semaphore, #tpu.memory_space<semaphore_mem>>
      %dma_start3A_168 = arith.constant 0 : i32
      %dma_start3A_169 = arith.constant 0 : i32
      %dma_start3A_170 = tpu.memref_slice %arg12[%dma_start3A_168, %dma_start3A_169] : memref<8x128xi32, #tpu.memory_space<vmem>> -> memref<4x128xi32, #tpu.memory_space<vmem>>
      %dma_start3A_171 = arith.constant 0 : i32
      %dma_start3A_172 = tpu.memref_slice %arg2[%mul3A_7, %dma_start3A_171] : memref<128x128xi32, #tpu.memory_space<hbm>> -> memref<4x128xi32, #tpu.memory_space<hbm>>
      %dma_start3A_173 = arith.constant 0 : i32
      %dma_start3A_174 = arith.constant 0 : i32
      %dma_start3A_175 = tpu.memref_slice %arg12[%dma_start3A_173, %dma_start3A_174] : memref<8x128xi32, #tpu.memory_space<vmem>> -> memref<4x128xi32, #tpu.memory_space<vmem>>
      %dma_start3A_176 = arith.constant 0 : i32
      %dma_start3A_177 = tpu.memref_slice %arg2[%mul3A_7, %dma_start3A_176] : memref<128x128xi32, #tpu.memory_space<hbm>> -> memref<4x128xi32, #tpu.memory_space<hbm>>
      tpu.enqueue_dma source(%dma_start3A_177 : memref<4x128xi32, #tpu.memory_space<hbm>>) target(%dma_start3A_175 : memref<4x128xi32, #tpu.memory_space<vmem>>) target_semaphore(%run_scoped3A : memref<!tpu.dma_semaphore, #tpu.memory_space<semaphore_mem>>)
      %dma_wait3A_178 = arith.constant 0 : i32
      %dma_wait3A_179 = arith.constant 0 : i32
      %dma_wait3A_180 = tpu.memref_slice %arg12[%dma_wait3A_178, %dma_wait3A_179] : memref<8x128xi32, #tpu.memory_space<vmem>> -> memref<4x128xi32, #tpu.memory_space<vmem>>
      %dma_wait3A_181 = arith.constant 0 : i32
      %dma_wait3A_182 = tpu.memref_slice %arg2[%mul3A_7, %dma_wait3A_181] : memref<128x128xi32, #tpu.memory_space<hbm>> -> memref<4x128xi32, #tpu.memory_space<hbm>>
      %dma_wait3A_183 = arith.constant 0 : i32
      %dma_wait3A_184 = arith.constant 0 : i32
      %dma_wait3A_185 = tpu.memref_slice %arg12[%dma_wait3A_183, %dma_wait3A_184] : memref<8x128xi32, #tpu.memory_space<vmem>> -> memref<4x128xi32, #tpu.memory_space<vmem>>
      %dma_wait3A_186 = arith.constant 0 : i32
      %dma_wait3A_187 = tpu.memref_slice %arg2[%mul3A_7, %dma_wait3A_186] : memref<128x128xi32, #tpu.memory_space<hbm>> -> memref<4x128xi32, #tpu.memory_space<hbm>>
      tpu.wait_dma2 semaphore(%run_scoped3A : memref<!tpu.dma_semaphore, #tpu.memory_space<semaphore_mem>>) src(%dma_wait3A_187 : memref<4x128xi32, #tpu.memory_space<hbm>>) dst(%dma_wait3A_185 : memref<4x128xi32, #tpu.memory_space<vmem>>)
      tpu.yield
    }) : () -> ()
    %mul3A_8 = arith.constant 4 : i32
    %mul3A_9 = arith.muli %add3A, %mul3A_8 : i32
    "tpu.region"() ({
      %run_scoped3A = tpu.sem_alloc : memref<!tpu.dma_semaphore, #tpu.memory_space<semaphore_mem>>
      %dma_start3A_168 = arith.constant 4 : i32
      %dma_start3A_169 = arith.constant 0 : i32
      %dma_start3A_170 = tpu.memref_slice %arg12[%dma_start3A_168, %dma_start3A_169] : memref<8x128xi32, #tpu.memory_space<vmem>> -> memref<4x128xi32, #tpu.memory_space<vmem>>
      %dma_start3A_171 = arith.constant 0 : i32
      %dma_start3A_172 = tpu.memref_slice %arg3[%mul3A_9, %dma_start3A_171] : memref<128x128xi32, #tpu.memory_space<hbm>> -> memref<4x128xi32, #tpu.memory_space<hbm>>
      %dma_start3A_173 = arith.constant 4 : i32
      %dma_start3A_174 = arith.constant 0 : i32
      %dma_start3A_175 = tpu.memref_slice %arg12[%dma_start3A_173, %dma_start3A_174] : memref<8x128xi32, #tpu.memory_space<vmem>> -> memref<4x128xi32, #tpu.memory_space<vmem>>
      %dma_start3A_176 = arith.constant 0 : i32
      %dma_start3A_177 = tpu.memref_slice %arg3[%mul3A_9, %dma_start3A_176] : memref<128x128xi32, #tpu.memory_space<hbm>> -> memref<4x128xi32, #tpu.memory_space<hbm>>
      tpu.enqueue_dma source(%dma_start3A_177 : memref<4x128xi32, #tpu.memory_space<hbm>>) target(%dma_start3A_175 : memref<4x128xi32, #tpu.memory_space<vmem>>) target_semaphore(%run_scoped3A : memref<!tpu.dma_semaphore, #tpu.memory_space<semaphore_mem>>)
      %dma_wait3A_178 = arith.constant 4 : i32
      %dma_wait3A_179 = arith.constant 0 : i32
      %dma_wait3A_180 = tpu.memref_slice %arg12[%dma_wait3A_178, %dma_wait3A_179] : memref<8x128xi32, #tpu.memory_space<vmem>> -> memref<4x128xi32, #tpu.memory_space<vmem>>
      %dma_wait3A_181 = arith.constant 0 : i32
      %dma_wait3A_182 = tpu.memref_slice %arg3[%mul3A_9, %dma_wait3A_181] : memref<128x128xi32, #tpu.memory_space<hbm>> -> memref<4x128xi32, #tpu.memory_space<hbm>>
      %dma_wait3A_183 = arith.constant 4 : i32
      %dma_wait3A_184 = arith.constant 0 : i32
      %dma_wait3A_185 = tpu.memref_slice %arg12[%dma_wait3A_183, %dma_wait3A_184] : memref<8x128xi32, #tpu.memory_space<vmem>> -> memref<4x128xi32, #tpu.memory_space<vmem>>
      %dma_wait3A_186 = arith.constant 0 : i32
      %dma_wait3A_187 = tpu.memref_slice %arg3[%mul3A_9, %dma_wait3A_186] : memref<128x128xi32, #tpu.memory_space<hbm>> -> memref<4x128xi32, #tpu.memory_space<hbm>>
      tpu.wait_dma2 semaphore(%run_scoped3A : memref<!tpu.dma_semaphore, #tpu.memory_space<semaphore_mem>>) src(%dma_wait3A_187 : memref<4x128xi32, #tpu.memory_space<hbm>>) dst(%dma_wait3A_185 : memref<4x128xi32, #tpu.memory_space<vmem>>)
      tpu.yield
    }) : () -> ()
    %mul3A_10 = arith.constant 512 : i32
    %mul3A_11 = arith.muli %add3A, %mul3A_10 : i32
    %broadcast_in_dim3A = vector.broadcast %mul3A_11 : i32 to vector<16xi32>
    %scan3A = arith.constant 0 : i32
    %scan3A_12 = arith.constant 80 : i32
    %scan3A_13 = arith.addi %scan3A, %scan3A_12 : i32
    %scan3A_14 = arith.constant 1 : i32
    %scan3A_15:2 = scf.for %scan3A_168 = %scan3A to %scan3A_13 step %scan3A_14 iter_args(%scan3A_169 = %iota3A, %scan3A_170 = %broadcast_in_dim3A) -> (vector<16xi32>, vector<16xi32>)  : i32 {
      %mul3A_171 = arith.constant 16384 : i32
      %mul3A_172 = vector.broadcast %mul3A_171 : i32 to vector<16xi32>
      %mul3A_173 = arith.muli %scan3A_169, %mul3A_172 : vector<16xi32>
      %add3A_174 = arith.addi %mul3A_173, %scan3A_170 : vector<16xi32>
      %swap3A = arith.index_cast %scan3A_168 : i32 to index
      %swap3A_175 = arith.constant 0 : index
      %swap3A_176 = tpu.vector_load %arg11[%swap3A, %swap3A_175] {strides = array<i32>} : memref<80x128xi32, #tpu.memory_space<vmem>>, vector<1x16xi32>,
      %swap3A_177 = vector.shape_cast %swap3A_176 : vector<1x16xi32> to vector<16xi32>
      %swap3A_178 = vector.shape_cast %add3A_174 : vector<16xi32> to vector<1x16xi32>
      tpu.vector_store %arg11[%swap3A, %swap3A_175], %swap3A_178 {strides = array<i32>} : memref<80x128xi32, #tpu.memory_space<vmem>>, vector<1x16xi32>,
      %add3A_179 = arith.constant 16 : i32
      %add3A_180 = vector.broadcast %add3A_179 : i32 to vector<16xi32>
      %add3A_181 = arith.addi %scan3A_169, %add3A_180 : vector<16xi32>
      %ge3A = arith.constant 20 : i32
      %ge3A_182 = vector.broadcast %ge3A : i32 to vector<16xi32>
      %ge3A_183 = arith.cmpi sge, %add3A_181, %ge3A_182 : vector<16xi32>
      %sub3A = arith.constant 20 : i32
      %sub3A_184 = vector.broadcast %sub3A : i32 to vector<16xi32>
      %sub3A_185 = arith.subi %add3A_181, %sub3A_184 : vector<16xi32>
      %select_n3A = arith.select %ge3A_183, %sub3A_185, %add3A_181 : vector<16xi1>, vector<16xi32>
      %add3A_186 = arith.constant 1 : i32
      %add3A_187 = vector.broadcast %add3A_186 : i32 to vector<16xi32>
      %add3A_188 = arith.addi %scan3A_170, %add3A_187 : vector<16xi32>
      %select_n3A_189 = arith.select %ge3A_183, %add3A_188, %scan3A_170 : vector<16xi1>, vector<16xi32>
      %mul3A_190 = arith.constant 16384 : i32
      %mul3A_191 = vector.broadcast %mul3A_190 : i32 to vector<16xi32>
      %mul3A_192 = arith.muli %select_n3A, %mul3A_191 : vector<16xi32>
      %add3A_193 = arith.addi %mul3A_192, %select_n3A_189 : vector<16xi32>
      %swap3A_194 = arith.index_cast %scan3A_168 : i32 to index
      %swap3A_195 = arith.constant 16 : index
      %swap3A_196 = tpu.vector_load %arg11[%swap3A_194, %swap3A_195] {strides = array<i32>} : memref<80x128xi32, #tpu.memory_space<vmem>>, vector<1x16xi32>,
      %swap3A_197 = vector.shape_cast %swap3A_196 : vector<1x16xi32> to vector<16xi32>
      %swap3A_198 = vector.shape_cast %add3A_193 : vector<16xi32> to vector<1x16xi32>
      tpu.vector_store %arg11[%swap3A_194, %swap3A_195], %swap3A_198 {strides = array<i32>} : memref<80x128xi32, #tpu.memory_space<vmem>>, vector<1x16xi32>,
      %add3A_199 = arith.constant 16 : i32
      %add3A_200 = vector.broadcast %add3A_199 : i32 to vector<16xi32>
      %add3A_201 = arith.addi %select_n3A, %add3A_200 : vector<16xi32>
      %ge3A_202 = arith.constant 20 : i32
      %ge3A_203 = vector.broadcast %ge3A_202 : i32 to vector<16xi32>
      %ge3A_204 = arith.cmpi sge, %add3A_201, %ge3A_203 : vector<16xi32>
      %sub3A_205 = arith.constant 20 : i32
      %sub3A_206 = vector.broadcast %sub3A_205 : i32 to vector<16xi32>
      %sub3A_207 = arith.subi %add3A_201, %sub3A_206 : vector<16xi32>
      %select_n3A_208 = arith.select %ge3A_204, %sub3A_207, %add3A_201 : vector<16xi1>, vector<16xi32>
      %add3A_209 = arith.constant 1 : i32
      %add3A_210 = vector.broadcast %add3A_209 : i32 to vector<16xi32>
      %add3A_211 = arith.addi %select_n3A_189, %add3A_210 : vector<16xi32>
      %select_n3A_212 = arith.select %ge3A_204, %add3A_211, %select_n3A_189 : vector<16xi1>, vector<16xi32>
      %mul3A_213 = arith.constant 16384 : i32
      %mul3A_214 = vector.broadcast %mul3A_213 : i32 to vector<16xi32>
      %mul3A_215 = arith.muli %select_n3A_208, %mul3A_214 : vector<16xi32>
      %add3A_216 = arith.addi %mul3A_215, %select_n3A_212 : vector<16xi32>
      %swap3A_217 = arith.index_cast %scan3A_168 : i32 to index
      %swap3A_218 = arith.constant 32 : index
      %swap3A_219 = tpu.vector_load %arg11[%swap3A_217, %swap3A_218] {strides = array<i32>} : memref<80x128xi32, #tpu.memory_space<vmem>>, vector<1x16xi32>,
      %swap3A_220 = vector.shape_cast %swap3A_219 : vector<1x16xi32> to vector<16xi32>
      %swap3A_221 = vector.shape_cast %add3A_216 : vector<16xi32> to vector<1x16xi32>
      tpu.vector_store %arg11[%swap3A_217, %swap3A_218], %swap3A_221 {strides = array<i32>} : memref<80x128xi32, #tpu.memory_space<vmem>>, vector<1x16xi32>,
      %add3A_222 = arith.constant 16 : i32
      %add3A_223 = vector.broadcast %add3A_222 : i32 to vector<16xi32>
      %add3A_224 = arith.addi %select_n3A_208, %add3A_223 : vector<16xi32>
      %ge3A_225 = arith.constant 20 : i32
      %ge3A_226 = vector.broadcast %ge3A_225 : i32 to vector<16xi32>
      %ge3A_227 = arith.cmpi sge, %add3A_224, %ge3A_226 : vector<16xi32>
      %sub3A_228 = arith.constant 20 : i32
      %sub3A_229 = vector.broadcast %sub3A_228 : i32 to vector<16xi32>
      %sub3A_230 = arith.subi %add3A_224, %sub3A_229 : vector<16xi32>
      %select_n3A_231 = arith.select %ge3A_227, %sub3A_230, %add3A_224 : vector<16xi1>, vector<16xi32>
      %add3A_232 = arith.constant 1 : i32
      %add3A_233 = vector.broadcast %add3A_232 : i32 to vector<16xi32>
      %add3A_234 = arith.addi %select_n3A_212, %add3A_233 : vector<16xi32>
      %select_n3A_235 = arith.select %ge3A_227, %add3A_234, %select_n3A_212 : vector<16xi1>, vector<16xi32>
      %mul3A_236 = arith.constant 16384 : i32
      %mul3A_237 = vector.broadcast %mul3A_236 : i32 to vector<16xi32>
      %mul3A_238 = arith.muli %select_n3A_231, %mul3A_237 : vector<16xi32>
      %add3A_239 = arith.addi %mul3A_238, %select_n3A_235 : vector<16xi32>
      %swap3A_240 = arith.index_cast %scan3A_168 : i32 to index
      %swap3A_241 = arith.constant 48 : index
      %swap3A_242 = tpu.vector_load %arg11[%swap3A_240, %swap3A_241] {strides = array<i32>} : memref<80x128xi32, #tpu.memory_space<vmem>>, vector<1x16xi32>,
      %swap3A_243 = vector.shape_cast %swap3A_242 : vector<1x16xi32> to vector<16xi32>
      %swap3A_244 = vector.shape_cast %add3A_239 : vector<16xi32> to vector<1x16xi32>
      tpu.vector_store %arg11[%swap3A_240, %swap3A_241], %swap3A_244 {strides = array<i32>} : memref<80x128xi32, #tpu.memory_space<vmem>>, vector<1x16xi32>,
      %add3A_245 = arith.constant 16 : i32
      %add3A_246 = vector.broadcast %add3A_245 : i32 to vector<16xi32>
      %add3A_247 = arith.addi %select_n3A_231, %add3A_246 : vector<16xi32>
      %ge3A_248 = arith.constant 20 : i32
      %ge3A_249 = vector.broadcast %ge3A_248 : i32 to vector<16xi32>
      %ge3A_250 = arith.cmpi sge, %add3A_247, %ge3A_249 : vector<16xi32>
      %sub3A_251 = arith.constant 20 : i32
      %sub3A_252 = vector.broadcast %sub3A_251 : i32 to vector<16xi32>
      %sub3A_253 = arith.subi %add3A_247, %sub3A_252 : vector<16xi32>
      %select_n3A_254 = arith.select %ge3A_250, %sub3A_253, %add3A_247 : vector<16xi1>, vector<16xi32>
      %add3A_255 = arith.constant 1 : i32
      %add3A_256 = vector.broadcast %add3A_255 : i32 to vector<16xi32>
      %add3A_257 = arith.addi %select_n3A_235, %add3A_256 : vector<16xi32>
      %select_n3A_258 = arith.select %ge3A_250, %add3A_257, %select_n3A_235 : vector<16xi1>, vector<16xi32>
      %mul3A_259 = arith.constant 16384 : i32
      %mul3A_260 = vector.broadcast %mul3A_259 : i32 to vector<16xi32>
      %mul3A_261 = arith.muli %select_n3A_254, %mul3A_260 : vector<16xi32>
      %add3A_262 = arith.addi %mul3A_261, %select_n3A_258 : vector<16xi32>
      %swap3A_263 = arith.index_cast %scan3A_168 : i32 to index
      %swap3A_264 = arith.constant 64 : index
      %swap3A_265 = tpu.vector_load %arg11[%swap3A_263, %swap3A_264] {strides = array<i32>} : memref<80x128xi32, #tpu.memory_space<vmem>>, vector<1x16xi32>,
      %swap3A_266 = vector.shape_cast %swap3A_265 : vector<1x16xi32> to vector<16xi32>
      %swap3A_267 = vector.shape_cast %add3A_262 : vector<16xi32> to vector<1x16xi32>
      tpu.vector_store %arg11[%swap3A_263, %swap3A_264], %swap3A_267 {strides = array<i32>} : memref<80x128xi32, #tpu.memory_space<vmem>>, vector<1x16xi32>,
      %add3A_268 = arith.constant 16 : i32
      %add3A_269 = vector.broadcast %add3A_268 : i32 to vector<16xi32>
      %add3A_270 = arith.addi %select_n3A_254, %add3A_269 : vector<16xi32>
      %ge3A_271 = arith.constant 20 : i32
      %ge3A_272 = vector.broadcast %ge3A_271 : i32 to vector<16xi32>
      %ge3A_273 = arith.cmpi sge, %add3A_270, %ge3A_272 : vector<16xi32>
      %sub3A_274 = arith.constant 20 : i32
      %sub3A_275 = vector.broadcast %sub3A_274 : i32 to vector<16xi32>
      %sub3A_276 = arith.subi %add3A_270, %sub3A_275 : vector<16xi32>
      %select_n3A_277 = arith.select %ge3A_273, %sub3A_276, %add3A_270 : vector<16xi1>, vector<16xi32>
      %add3A_278 = arith.constant 1 : i32
      %add3A_279 = vector.broadcast %add3A_278 : i32 to vector<16xi32>
      %add3A_280 = arith.addi %select_n3A_258, %add3A_279 : vector<16xi32>
      %select_n3A_281 = arith.select %ge3A_273, %add3A_280, %select_n3A_258 : vector<16xi1>, vector<16xi32>
      %mul3A_282 = arith.constant 16384 : i32
      %mul3A_283 = vector.broadcast %mul3A_282 : i32 to vector<16xi32>
      %mul3A_284 = arith.muli %select_n3A_277, %mul3A_283 : vector<16xi32>
      %add3A_285 = arith.addi %mul3A_284, %select_n3A_281 : vector<16xi32>
      %swap3A_286 = arith.index_cast %scan3A_168 : i32 to index
      %swap3A_287 = arith.constant 80 : index
      %swap3A_288 = tpu.vector_load %arg11[%swap3A_286, %swap3A_287] {strides = array<i32>} : memref<80x128xi32, #tpu.memory_space<vmem>>, vector<1x16xi32>,
      %swap3A_289 = vector.shape_cast %swap3A_288 : vector<1x16xi32> to vector<16xi32>
      %swap3A_290 = vector.shape_cast %add3A_285 : vector<16xi32> to vector<1x16xi32>
      tpu.vector_store %arg11[%swap3A_286, %swap3A_287], %swap3A_290 {strides = array<i32>} : memref<80x128xi32, #tpu.memory_space<vmem>>, vector<1x16xi32>,
      %add3A_291 = arith.constant 16 : i32
      %add3A_292 = vector.broadcast %add3A_291 : i32 to vector<16xi32>
      %add3A_293 = arith.addi %select_n3A_277, %add3A_292 : vector<16xi32>
      %ge3A_294 = arith.constant 20 : i32
      %ge3A_295 = vector.broadcast %ge3A_294 : i32 to vector<16xi32>
      %ge3A_296 = arith.cmpi sge, %add3A_293, %ge3A_295 : vector<16xi32>
      %sub3A_297 = arith.constant 20 : i32
      %sub3A_298 = vector.broadcast %sub3A_297 : i32 to vector<16xi32>
      %sub3A_299 = arith.subi %add3A_293, %sub3A_298 : vector<16xi32>
      %select_n3A_300 = arith.select %ge3A_296, %sub3A_299, %add3A_293 : vector<16xi1>, vector<16xi32>
      %add3A_301 = arith.constant 1 : i32
      %add3A_302 = vector.broadcast %add3A_301 : i32 to vector<16xi32>
      %add3A_303 = arith.addi %select_n3A_281, %add3A_302 : vector<16xi32>
      %select_n3A_304 = arith.select %ge3A_296, %add3A_303, %select_n3A_281 : vector<16xi1>, vector<16xi32>
      %mul3A_305 = arith.constant 16384 : i32
      %mul3A_306 = vector.broadcast %mul3A_305 : i32 to vector<16xi32>
      %mul3A_307 = arith.muli %select_n3A_300, %mul3A_306 : vector<16xi32>
      %add3A_308 = arith.addi %mul3A_307, %select_n3A_304 : vector<16xi32>
      %swap3A_309 = arith.index_cast %scan3A_168 : i32 to index
      %swap3A_310 = arith.constant 96 : index
      %swap3A_311 = tpu.vector_load %arg11[%swap3A_309, %swap3A_310] {strides = array<i32>} : memref<80x128xi32, #tpu.memory_space<vmem>>, vector<1x16xi32>,
      %swap3A_312 = vector.shape_cast %swap3A_311 : vector<1x16xi32> to vector<16xi32>
      %swap3A_313 = vector.shape_cast %add3A_308 : vector<16xi32> to vector<1x16xi32>
      tpu.vector_store %arg11[%swap3A_309, %swap3A_310], %swap3A_313 {strides = array<i32>} : memref<80x128xi32, #tpu.memory_space<vmem>>, vector<1x16xi32>,
      %add3A_314 = arith.constant 16 : i32
      %add3A_315 = vector.broadcast %add3A_314 : i32 to vector<16xi32>
      %add3A_316 = arith.addi %select_n3A_300, %add3A_315 : vector<16xi32>
      %ge3A_317 = arith.constant 20 : i32
      %ge3A_318 = vector.broadcast %ge3A_317 : i32 to vector<16xi32>
      %ge3A_319 = arith.cmpi sge, %add3A_316, %ge3A_318 : vector<16xi32>
      %sub3A_320 = arith.constant 20 : i32
      %sub3A_321 = vector.broadcast %sub3A_320 : i32 to vector<16xi32>
      %sub3A_322 = arith.subi %add3A_316, %sub3A_321 : vector<16xi32>
      %select_n3A_323 = arith.select %ge3A_319, %sub3A_322, %add3A_316 : vector<16xi1>, vector<16xi32>
      %add3A_324 = arith.constant 1 : i32
      %add3A_325 = vector.broadcast %add3A_324 : i32 to vector<16xi32>
      %add3A_326 = arith.addi %select_n3A_304, %add3A_325 : vector<16xi32>
      %select_n3A_327 = arith.select %ge3A_319, %add3A_326, %select_n3A_304 : vector<16xi1>, vector<16xi32>
      %mul3A_328 = arith.constant 16384 : i32
      %mul3A_329 = vector.broadcast %mul3A_328 : i32 to vector<16xi32>
      %mul3A_330 = arith.muli %select_n3A_323, %mul3A_329 : vector<16xi32>
      %add3A_331 = arith.addi %mul3A_330, %select_n3A_327 : vector<16xi32>
      %swap3A_332 = arith.index_cast %scan3A_168 : i32 to index
      %swap3A_333 = arith.constant 112 : index
      %swap3A_334 = tpu.vector_load %arg11[%swap3A_332, %swap3A_333] {strides = array<i32>} : memref<80x128xi32, #tpu.memory_space<vmem>>, vector<1x16xi32>,
      %swap3A_335 = vector.shape_cast %swap3A_334 : vector<1x16xi32> to vector<16xi32>
      %swap3A_336 = vector.shape_cast %add3A_331 : vector<16xi32> to vector<1x16xi32>
      tpu.vector_store %arg11[%swap3A_332, %swap3A_333], %swap3A_336 {strides = array<i32>} : memref<80x128xi32, #tpu.memory_space<vmem>>, vector<1x16xi32>,
      %add3A_337 = arith.constant 16 : i32
      %add3A_338 = vector.broadcast %add3A_337 : i32 to vector<16xi32>
      %add3A_339 = arith.addi %select_n3A_323, %add3A_338 : vector<16xi32>
      %ge3A_340 = arith.constant 20 : i32
      %ge3A_341 = vector.broadcast %ge3A_340 : i32 to vector<16xi32>
      %ge3A_342 = arith.cmpi sge, %add3A_339, %ge3A_341 : vector<16xi32>
      %sub3A_343 = arith.constant 20 : i32
      %sub3A_344 = vector.broadcast %sub3A_343 : i32 to vector<16xi32>
      %sub3A_345 = arith.subi %add3A_339, %sub3A_344 : vector<16xi32>
      %select_n3A_346 = arith.select %ge3A_342, %sub3A_345, %add3A_339 : vector<16xi1>, vector<16xi32>
      %add3A_347 = arith.constant 1 : i32
      %add3A_348 = vector.broadcast %add3A_347 : i32 to vector<16xi32>
      %add3A_349 = arith.addi %select_n3A_327, %add3A_348 : vector<16xi32>
      %select_n3A_350 = arith.select %ge3A_342, %add3A_349, %select_n3A_327 : vector<16xi1>, vector<16xi32>
      scf.yield %select_n3A_346, %select_n3A_350 : vector<16xi32>, vector<16xi32>
    }
    %scan3A_16 = arith.constant 80 : i32
    %dma_start3A_17 = arith.constant 0 : i32
    %dma_start3A_18 = arith.constant 0 : i32
    %dma_start3A_19 = tpu.memref_slice %arg12[%dma_start3A_17, %dma_start3A_18] : memref<8x128xi32, #tpu.memory_space<vmem>> -> memref<1x128xi32, #tpu.memory_space<vmem>>
    %dma_start3A_20 = tpu.memref_squeeze %dma_start3A_19 : memref<1x128xi32, #tpu.memory_space<vmem>> -> memref<128xi32, #tpu.memory_space<vmem>>
    %dma_start3A_21 = arith.constant 0 : i32
    %dma_start3A_22 = arith.constant 0 : i32
    %dma_start3A_23 = tpu.memref_slice %arg5[%dma_start3A_21, %dma_start3A_22] : memref<100000x128xf32, #tpu.memory_space<hbm>> -> memref<100000x128xf32, #tpu.memory_space<hbm>>
    tpu.enqueue_indirect_dma source(%dma_start3A_23 : memref<100000x128xf32, #tpu.memory_space<hbm>>) target(%arg13 : memref<128x128xf32, #tpu.memory_space<vmem>>) offsets(%dma_start3A_20 : memref<128xi32, #tpu.memory_space<vmem>>) semaphore(%arg19 : memref<!tpu.dma_semaphore, #tpu.memory_space<semaphore_mem>>)
    %dma_start3A_24 = arith.constant 1 : i32
    %dma_start3A_25 = arith.constant 0 : i32
    %dma_start3A_26 = tpu.memref_slice %arg12[%dma_start3A_24, %dma_start3A_25] : memref<8x128xi32, #tpu.memory_space<vmem>> -> memref<1x128xi32, #tpu.memory_space<vmem>>
    %dma_start3A_27 = tpu.memref_squeeze %dma_start3A_26 : memref<1x128xi32, #tpu.memory_space<vmem>> -> memref<128xi32, #tpu.memory_space<vmem>>
    %dma_start3A_28 = arith.constant 0 : i32
    %dma_start3A_29 = arith.constant 0 : i32
    %dma_start3A_30 = tpu.memref_slice %arg5[%dma_start3A_28, %dma_start3A_29] : memref<100000x128xf32, #tpu.memory_space<hbm>> -> memref<100000x128xf32, #tpu.memory_space<hbm>>
    tpu.enqueue_indirect_dma source(%dma_start3A_30 : memref<100000x128xf32, #tpu.memory_space<hbm>>) target(%arg14 : memref<128x128xf32, #tpu.memory_space<vmem>>) offsets(%dma_start3A_27 : memref<128xi32, #tpu.memory_space<vmem>>) semaphore(%arg20 : memref<!tpu.dma_semaphore, #tpu.memory_space<semaphore_mem>>)
    %dma_start3A_31 = arith.constant 2 : i32
    %dma_start3A_32 = arith.constant 0 : i32
    %dma_start3A_33 = tpu.memref_slice %arg12[%dma_start3A_31, %dma_start3A_32] : memref<8x128xi32, #tpu.memory_space<vmem>> -> memref<1x128xi32, #tpu.memory_space<vmem>>
    %dma_start3A_34 = tpu.memref_squeeze %dma_start3A_33 : memref<1x128xi32, #tpu.memory_space<vmem>> -> memref<128xi32, #tpu.memory_space<vmem>>
    %dma_start3A_35 = arith.constant 0 : i32
    %dma_start3A_36 = arith.constant 0 : i32
    %dma_start3A_37 = tpu.memref_slice %arg5[%dma_start3A_35, %dma_start3A_36] : memref<100000x128xf32, #tpu.memory_space<hbm>> -> memref<100000x128xf32, #tpu.memory_space<hbm>>
    tpu.enqueue_indirect_dma source(%dma_start3A_37 : memref<100000x128xf32, #tpu.memory_space<hbm>>) target(%arg15 : memref<128x128xf32, #tpu.memory_space<vmem>>) offsets(%dma_start3A_34 : memref<128xi32, #tpu.memory_space<vmem>>) semaphore(%arg21 : memref<!tpu.dma_semaphore, #tpu.memory_space<semaphore_mem>>)
    %dma_start3A_38 = arith.constant 3 : i32
    %dma_start3A_39 = arith.constant 0 : i32
    %dma_start3A_40 = tpu.memref_slice %arg12[%dma_start3A_38, %dma_start3A_39] : memref<8x128xi32, #tpu.memory_space<vmem>> -> memref<1x128xi32, #tpu.memory_space<vmem>>
    %dma_start3A_41 = tpu.memref_squeeze %dma_start3A_40 : memref<1x128xi32, #tpu.memory_space<vmem>> -> memref<128xi32, #tpu.memory_space<vmem>>
    %dma_start3A_42 = arith.constant 0 : i32
    %dma_start3A_43 = arith.constant 0 : i32
    %dma_start3A_44 = tpu.memref_slice %arg5[%dma_start3A_42, %dma_start3A_43] : memref<100000x128xf32, #tpu.memory_space<hbm>> -> memref<100000x128xf32, #tpu.memory_space<hbm>>
    tpu.enqueue_indirect_dma source(%dma_start3A_44 : memref<100000x128xf32, #tpu.memory_space<hbm>>) target(%arg16 : memref<128x128xf32, #tpu.memory_space<vmem>>) offsets(%dma_start3A_41 : memref<128xi32, #tpu.memory_space<vmem>>) semaphore(%arg22 : memref<!tpu.dma_semaphore, #tpu.memory_space<semaphore_mem>>)
    %dma_start3A_45 = arith.constant 4 : i32
    %dma_start3A_46 = arith.constant 0 : i32
    %dma_start3A_47 = tpu.memref_slice %arg12[%dma_start3A_45, %dma_start3A_46] : memref<8x128xi32, #tpu.memory_space<vmem>> -> memref<1x128xi32, #tpu.memory_space<vmem>>
    %dma_start3A_48 = tpu.memref_squeeze %dma_start3A_47 : memref<1x128xi32, #tpu.memory_space<vmem>> -> memref<128xi32, #tpu.memory_space<vmem>>
    %dma_start3A_49 = arith.constant 0 : i32
    %dma_start3A_50 = arith.constant 0 : i32
    %dma_start3A_51 = tpu.memref_slice %arg6[%dma_start3A_49, %dma_start3A_50] : memref<100000x128xf32, #tpu.memory_space<hbm>> -> memref<100000x128xf32, #tpu.memory_space<hbm>>
    tpu.enqueue_indirect_dma source(%dma_start3A_51 : memref<100000x128xf32, #tpu.memory_space<hbm>>) target(%arg17 : memref<128x128xf32, #tpu.memory_space<vmem>>) offsets(%dma_start3A_48 : memref<128xi32, #tpu.memory_space<vmem>>) semaphore(%arg23 : memref<!tpu.dma_semaphore, #tpu.memory_space<semaphore_mem>>)
    %dma_start3A_52 = arith.constant 5 : i32
    %dma_start3A_53 = arith.constant 0 : i32
    %dma_start3A_54 = tpu.memref_slice %arg12[%dma_start3A_52, %dma_start3A_53] : memref<8x128xi32, #tpu.memory_space<vmem>> -> memref<1x128xi32, #tpu.memory_space<vmem>>
    %dma_start3A_55 = tpu.memref_squeeze %dma_start3A_54 : memref<1x128xi32, #tpu.memory_space<vmem>> -> memref<128xi32, #tpu.memory_space<vmem>>
    %dma_start3A_56 = arith.constant 0 : i32
    %dma_start3A_57 = arith.constant 0 : i32
    %dma_start3A_58 = tpu.memref_slice %arg6[%dma_start3A_56, %dma_start3A_57] : memref<100000x128xf32, #tpu.memory_space<hbm>> -> memref<100000x128xf32, #tpu.memory_space<hbm>>
    tpu.enqueue_indirect_dma source(%dma_start3A_58 : memref<100000x128xf32, #tpu.memory_space<hbm>>) target(%arg18 : memref<128x128xf32, #tpu.memory_space<vmem>>) offsets(%dma_start3A_55 : memref<128xi32, #tpu.memory_space<vmem>>) semaphore(%arg24 : memref<!tpu.dma_semaphore, #tpu.memory_space<semaphore_mem>>)
    %mul3A_59 = arith.constant 80 : i32
    %mul3A_60 = arith.muli %add3A, %mul3A_59 : i32
    %dma_wait3A = arith.constant 0 : i32
    %dma_wait3A_61 = tpu.memref_slice %arg4[%mul3A_60, %dma_wait3A] : memref<2560x128xi32, #tpu.memory_space<hbm>> -> memref<80x128xi32, #tpu.memory_space<hbm>>
    %dma_wait3A_62 = arith.constant 0 : i32
    %dma_wait3A_63 = tpu.memref_slice %arg4[%mul3A_60, %dma_wait3A_62] : memref<2560x128xi32, #tpu.memory_space<hbm>> -> memref<80x128xi32, #tpu.memory_space<hbm>>
    tpu.wait_dma2 semaphore(%arg31 : memref<!tpu.dma_semaphore, #tpu.memory_space<semaphore_mem>>) src(%dma_wait3A_63 : memref<80x128xi32, #tpu.memory_space<hbm>>) dst(%arg10 : memref<80x128xi32, #tpu.memory_space<vmem>>)
    %scan3A_64 = arith.constant 0 : i32
    %scan3A_65 = arith.constant 0 : i32
    %scan3A_66 = arith.constant 14 : i32
    %scan3A_67 = arith.addi %scan3A_65, %scan3A_66 : i32
    %scan3A_68 = arith.constant 1 : i32
    scf.for %scan3A_168 = %scan3A_65 to %scan3A_67 step %scan3A_68  : i32 {
      %mul3A_169 = arith.constant 6 : i32
      %mul3A_170 = arith.muli %scan3A_168, %mul3A_169 : i32
      %add3A_171 = arith.constant 0 : i32
      %add3A_172 = arith.addi %mul3A_170, %add3A_171 : i32
      %dma_wait3A_173 = arith.constant 0 : i32
      %dma_wait3A_174 = arith.constant 0 : i32
      %dma_wait3A_175 = tpu.memref_slice %arg10[%dma_wait3A_173, %dma_wait3A_174] : memref<80x128xi32, #tpu.memory_space<vmem>> -> memref<1x128xi32, #tpu.memory_space<vmem>>
      %dma_wait3A_176 = tpu.memref_squeeze %dma_wait3A_175 : memref<1x128xi32, #tpu.memory_space<vmem>> -> memref<128xi32, #tpu.memory_space<vmem>>
      %dma_wait3A_177 = arith.constant 0 : i32
      %dma_wait3A_178 = arith.constant 0 : i32
      %dma_wait3A_179 = tpu.memref_slice %arg6[%dma_wait3A_177, %dma_wait3A_178] : memref<100000x128xf32, #tpu.memory_space<hbm>> -> memref<100000x128xf32, #tpu.memory_space<hbm>>
      tpu.wait_indirect_dma semaphore(%arg19 : memref<!tpu.dma_semaphore, #tpu.memory_space<semaphore_mem>>) src(%dma_wait3A_179 : memref<100000x128xf32, #tpu.memory_space<hbm>>) dst(%arg13 : memref<128x128xf32, #tpu.memory_space<vmem>>)
      %lt3A = arith.constant 4 : i32
      %lt3A_180 = arith.cmpi slt, %add3A_172, %lt3A : i32
      %convert_element_type3A = arith.extui %lt3A_180 : i1 to i32
      %cond3A = arith.constant 0 : i32
      %cond3A_181 = arith.cmpi ne, %convert_element_type3A, %cond3A : i32
      scf.if %cond3A_181 {
        %mul3A_380 = arith.constant 512 : i32
        %mul3A_381 = arith.muli %add3A, %mul3A_380 : i32
        %mul3A_382 = arith.constant 128 : i32
        %mul3A_383 = arith.muli %add3A_172, %mul3A_382 : i32
        %add3A_384 = arith.addi %mul3A_381, %mul3A_383 : i32
        %dma_start3A_385 = arith.constant 0 : i32
        %dma_start3A_386 = tpu.memref_slice %arg7[%add3A_384, %dma_start3A_385] : memref<16384x128xf32, #tpu.memory_space<hbm>> -> memref<128x128xf32, #tpu.memory_space<hbm>>
        %dma_start3A_387 = arith.constant 0 : i32
        %dma_start3A_388 = tpu.memref_slice %arg7[%add3A_384, %dma_start3A_387] : memref<16384x128xf32, #tpu.memory_space<hbm>> -> memref<128x128xf32, #tpu.memory_space<hbm>>
        tpu.enqueue_dma source(%arg13 : memref<128x128xf32, #tpu.memory_space<vmem>>) target(%dma_start3A_388 : memref<128x128xf32, #tpu.memory_space<hbm>>) target_semaphore(%arg25 : memref<!tpu.dma_semaphore, #tpu.memory_space<semaphore_mem>>)
      } else {
      }
      %ge3A = arith.constant 4 : i32
      %ge3A_182 = arith.cmpi sge, %add3A_172, %ge3A : i32
      %lt3A_183 = arith.constant 8 : i32
      %lt3A_184 = arith.cmpi slt, %add3A_172, %lt3A_183 : i32
      %and3A = arith.andi %ge3A_182, %lt3A_184 : i1
      %convert_element_type3A_185 = arith.extui %and3A : i1 to i32
      %cond3A_186 = arith.constant 0 : i32
      %cond3A_187 = arith.cmpi ne, %convert_element_type3A_185, %cond3A_186 : i32
      scf.if %cond3A_187 {
        %mul3A_380 = arith.constant 512 : i32
        %mul3A_381 = arith.muli %add3A, %mul3A_380 : i32
        %sub3A = arith.constant 4 : i32
        %sub3A_382 = arith.subi %add3A_172, %sub3A : i32
        %mul3A_383 = arith.constant 128 : i32
        %mul3A_384 = arith.muli %sub3A_382, %mul3A_383 : i32
        %add3A_385 = arith.addi %mul3A_381, %mul3A_384 : i32
        %dma_start3A_386 = arith.constant 0 : i32
        %dma_start3A_387 = tpu.memref_slice %arg8[%add3A_385, %dma_start3A_386] : memref<16384x128xf32, #tpu.memory_space<hbm>> -> memref<128x128xf32, #tpu.memory_space<hbm>>
        %dma_start3A_388 = arith.constant 0 : i32
        %dma_start3A_389 = tpu.memref_slice %arg8[%add3A_385, %dma_start3A_388] : memref<16384x128xf32, #tpu.memory_space<hbm>> -> memref<128x128xf32, #tpu.memory_space<hbm>>
        tpu.enqueue_dma source(%arg13 : memref<128x128xf32, #tpu.memory_space<vmem>>) target(%dma_start3A_389 : memref<128x128xf32, #tpu.memory_space<hbm>>) target_semaphore(%arg25 : memref<!tpu.dma_semaphore, #tpu.memory_space<semaphore_mem>>)
      } else {
      }
      %ge3A_188 = arith.constant 8 : i32
      %ge3A_189 = arith.cmpi sge, %add3A_172, %ge3A_188 : i32
      %convert_element_type3A_190 = arith.extui %ge3A_189 : i1 to i32
      %cond3A_191 = arith.constant 0 : i32
      %cond3A_192 = arith.cmpi ne, %convert_element_type3A_190, %cond3A_191 : i32
      scf.if %cond3A_192 {
        %sub3A = arith.constant 8 : i32
        %sub3A_380 = arith.subi %add3A_172, %sub3A : i32
        %dma_start3A_381 = arith.constant 0 : i32
        %dma_start3A_382 = tpu.memref_slice %arg11[%sub3A_380, %dma_start3A_381] : memref<80x128xi32, #tpu.memory_space<vmem>> -> memref<1x128xi32, #tpu.memory_space<vmem>>
        %dma_start3A_383 = tpu.memref_squeeze %dma_start3A_382 : memref<1x128xi32, #tpu.memory_space<vmem>> -> memref<128xi32, #tpu.memory_space<vmem>>
        %dma_start3A_384 = arith.constant 0 : i32
        %dma_start3A_385 = arith.constant 0 : i32
        %dma_start3A_386 = tpu.memref_slice %arg9[%dma_start3A_384, %dma_start3A_385] : memref<327680x128xf32, #tpu.memory_space<hbm>> -> memref<327680x128xf32, #tpu.memory_space<hbm>>
        tpu.enqueue_indirect_dma source(%arg13 : memref<128x128xf32, #tpu.memory_space<vmem>>) target(%dma_start3A_386 : memref<327680x128xf32, #tpu.memory_space<hbm>>) offsets(%dma_start3A_383 : memref<128xi32, #tpu.memory_space<vmem>>) semaphore(%arg25 : memref<!tpu.dma_semaphore, #tpu.memory_space<semaphore_mem>>)
      } else {
      }
      %add3A_193 = arith.constant 6 : i32
      %add3A_194 = arith.addi %add3A_172, %add3A_193 : i32
      %lt3A_195 = arith.constant 88 : i32
      %lt3A_196 = arith.cmpi slt, %add3A_194, %lt3A_195 : i32
      %convert_element_type3A_197 = arith.extui %lt3A_196 : i1 to i32
      %cond3A_198 = arith.constant 0 : i32
      %cond3A_199 = arith.cmpi ne, %convert_element_type3A_197, %cond3A_198 : i32
      scf.if %cond3A_199 {
        %lt3A_380 = arith.constant 8 : i32
        %lt3A_381 = arith.cmpi slt, %add3A_172, %lt3A_380 : i32
        %convert_element_type3A_382 = arith.extui %lt3A_381 : i1 to i32
        %cond3A_383 = arith.constant 0 : i32
        %cond3A_384 = arith.cmpi ne, %convert_element_type3A_382, %cond3A_383 : i32
        scf.if %cond3A_384 {
          %mul3A_402 = arith.constant 512 : i32
          %mul3A_403 = arith.muli %add3A, %mul3A_402 : i32
          %dma_wait3A_404 = arith.constant 0 : i32
          %dma_wait3A_405 = tpu.memref_slice %arg7[%mul3A_403, %dma_wait3A_404] : memref<16384x128xf32, #tpu.memory_space<hbm>> -> memref<128x128xf32, #tpu.memory_space<hbm>>
          %dma_wait3A_406 = arith.constant 0 : i32
          %dma_wait3A_407 = tpu.memref_slice %arg7[%mul3A_403, %dma_wait3A_406] : memref<16384x128xf32, #tpu.memory_space<hbm>> -> memref<128x128xf32, #tpu.memory_space<hbm>>
          tpu.wait_dma2 semaphore(%arg25 : memref<!tpu.dma_semaphore, #tpu.memory_space<semaphore_mem>>) src(%arg13 : memref<128x128xf32, #tpu.memory_space<vmem>>) dst(%dma_wait3A_407 : memref<128x128xf32, #tpu.memory_space<hbm>>)
        } else {
        }
        %ge3A_385 = arith.constant 8 : i32
        %ge3A_386 = arith.cmpi sge, %add3A_172, %ge3A_385 : i32
        %convert_element_type3A_387 = arith.extui %ge3A_386 : i1 to i32
        %cond3A_388 = arith.constant 0 : i32
        %cond3A_389 = arith.cmpi ne, %convert_element_type3A_387, %cond3A_388 : i32
        scf.if %cond3A_389 {
          %dma_wait3A_402 = arith.constant 0 : i32
          %dma_wait3A_403 = arith.constant 0 : i32
          %dma_wait3A_404 = tpu.memref_slice %arg11[%dma_wait3A_402, %dma_wait3A_403] : memref<80x128xi32, #tpu.memory_space<vmem>> -> memref<1x128xi32, #tpu.memory_space<vmem>>
          %dma_wait3A_405 = tpu.memref_squeeze %dma_wait3A_404 : memref<1x128xi32, #tpu.memory_space<vmem>> -> memref<128xi32, #tpu.memory_space<vmem>>
          %dma_wait3A_406 = arith.constant 0 : i32
          %dma_wait3A_407 = arith.constant 0 : i32
          %dma_wait3A_408 = tpu.memref_slice %arg9[%dma_wait3A_406, %dma_wait3A_407] : memref<327680x128xf32, #tpu.memory_space<hbm>> -> memref<327680x128xf32, #tpu.memory_space<hbm>>
          tpu.wait_indirect_dma semaphore(%arg25 : memref<!tpu.dma_semaphore, #tpu.memory_space<semaphore_mem>>) src(%arg13 : memref<128x128xf32, #tpu.memory_space<vmem>>) dst(%dma_wait3A_408 : memref<327680x128xf32, #tpu.memory_space<hbm>>)
        } else {
        }
        %add3A_390 = arith.constant 6 : i32
        %add3A_391 = arith.addi %add3A_172, %add3A_390 : i32
        %lt3A_392 = arith.constant 8 : i32
        %lt3A_393 = arith.cmpi slt, %add3A_391, %lt3A_392 : i32
        %convert_element_type3A_394 = arith.extui %lt3A_393 : i1 to i32
        %cond3A_395 = arith.constant 0 : i32
        %cond3A_396 = arith.cmpi ne, %convert_element_type3A_394, %cond3A_395 : i32
        scf.if %cond3A_396 {
          %dma_start3A_402 = arith.constant 0 : i32
          %dma_start3A_403 = tpu.memref_slice %arg12[%add3A_391, %dma_start3A_402] : memref<8x128xi32, #tpu.memory_space<vmem>> -> memref<1x128xi32, #tpu.memory_space<vmem>>
          %dma_start3A_404 = tpu.memref_squeeze %dma_start3A_403 : memref<1x128xi32, #tpu.memory_space<vmem>> -> memref<128xi32, #tpu.memory_space<vmem>>
          %dma_start3A_405 = arith.constant 0 : i32
          %dma_start3A_406 = arith.constant 0 : i32
          %dma_start3A_407 = tpu.memref_slice %arg6[%dma_start3A_405, %dma_start3A_406] : memref<100000x128xf32, #tpu.memory_space<hbm>> -> memref<100000x128xf32, #tpu.memory_space<hbm>>
          tpu.enqueue_indirect_dma source(%dma_start3A_407 : memref<100000x128xf32, #tpu.memory_space<hbm>>) target(%arg13 : memref<128x128xf32, #tpu.memory_space<vmem>>) offsets(%dma_start3A_404 : memref<128xi32, #tpu.memory_space<vmem>>) semaphore(%arg19 : memref<!tpu.dma_semaphore, #tpu.memory_space<semaphore_mem>>)
        } else {
        }
        %ge3A_397 = arith.constant 8 : i32
        %ge3A_398 = arith.cmpi sge, %add3A_391, %ge3A_397 : i32
        %convert_element_type3A_399 = arith.extui %ge3A_398 : i1 to i32
        %cond3A_400 = arith.constant 0 : i32
        %cond3A_401 = arith.cmpi ne, %convert_element_type3A_399, %cond3A_400 : i32
        scf.if %cond3A_401 {
          %sub3A = arith.constant 8 : i32
          %sub3A_402 = arith.subi %add3A_391, %sub3A : i32
          %dma_start3A_403 = arith.constant 0 : i32
          %dma_start3A_404 = tpu.memref_slice %arg10[%sub3A_402, %dma_start3A_403] : memref<80x128xi32, #tpu.memory_space<vmem>> -> memref<1x128xi32, #tpu.memory_space<vmem>>
          %dma_start3A_405 = tpu.memref_squeeze %dma_start3A_404 : memref<1x128xi32, #tpu.memory_space<vmem>> -> memref<128xi32, #tpu.memory_space<vmem>>
          %dma_start3A_406 = arith.constant 0 : i32
          %dma_start3A_407 = arith.constant 0 : i32
          %dma_start3A_408 = tpu.memref_slice %arg6[%dma_start3A_406, %dma_start3A_407] : memref<100000x128xf32, #tpu.memory_space<hbm>> -> memref<100000x128xf32, #tpu.memory_space<hbm>>
          tpu.enqueue_indirect_dma source(%dma_start3A_408 : memref<100000x128xf32, #tpu.memory_space<hbm>>) target(%arg13 : memref<128x128xf32, #tpu.memory_space<vmem>>) offsets(%dma_start3A_405 : memref<128xi32, #tpu.memory_space<vmem>>) semaphore(%arg19 : memref<!tpu.dma_semaphore, #tpu.memory_space<semaphore_mem>>)
        } else {
        }
      } else {
      }
      %mul3A_200 = arith.constant 6 : i32
      %mul3A_201 = arith.muli %scan3A_168, %mul3A_200 : i32
      %add3A_202 = arith.constant 1 : i32
      %add3A_203 = arith.addi %mul3A_201, %add3A_202 : i32
      %dma_wait3A_204 = arith.constant 0 : i32
      %dma_wait3A_205 = arith.constant 0 : i32
      %dma_wait3A_206 = tpu.memref_slice %arg10[%dma_wait3A_204, %dma_wait3A_205] : memref<80x128xi32, #tpu.memory_space<vmem>> -> memref<1x128xi32, #tpu.memory_space<vmem>>
      %dma_wait3A_207 = tpu.memref_squeeze %dma_wait3A_206 : memref<1x128xi32, #tpu.memory_space<vmem>> -> memref<128xi32, #tpu.memory_space<vmem>>
      %dma_wait3A_208 = arith.constant 0 : i32
      %dma_wait3A_209 = arith.constant 0 : i32
      %dma_wait3A_210 = tpu.memref_slice %arg6[%dma_wait3A_208, %dma_wait3A_209] : memref<100000x128xf32, #tpu.memory_space<hbm>> -> memref<100000x128xf32, #tpu.memory_space<hbm>>
      tpu.wait_indirect_dma semaphore(%arg20 : memref<!tpu.dma_semaphore, #tpu.memory_space<semaphore_mem>>) src(%dma_wait3A_210 : memref<100000x128xf32, #tpu.memory_space<hbm>>) dst(%arg14 : memref<128x128xf32, #tpu.memory_space<vmem>>)
      %lt3A_211 = arith.constant 4 : i32
      %lt3A_212 = arith.cmpi slt, %add3A_203, %lt3A_211 : i32
      %convert_element_type3A_213 = arith.extui %lt3A_212 : i1 to i32
      %cond3A_214 = arith.constant 0 : i32
      %cond3A_215 = arith.cmpi ne, %convert_element_type3A_213, %cond3A_214 : i32
      scf.if %cond3A_215 {
        %mul3A_380 = arith.constant 512 : i32
        %mul3A_381 = arith.muli %add3A, %mul3A_380 : i32
        %mul3A_382 = arith.constant 128 : i32
        %mul3A_383 = arith.muli %add3A_203, %mul3A_382 : i32
        %add3A_384 = arith.addi %mul3A_381, %mul3A_383 : i32
        %dma_start3A_385 = arith.constant 0 : i32
        %dma_start3A_386 = tpu.memref_slice %arg7[%add3A_384, %dma_start3A_385] : memref<16384x128xf32, #tpu.memory_space<hbm>> -> memref<128x128xf32, #tpu.memory_space<hbm>>
        %dma_start3A_387 = arith.constant 0 : i32
        %dma_start3A_388 = tpu.memref_slice %arg7[%add3A_384, %dma_start3A_387] : memref<16384x128xf32, #tpu.memory_space<hbm>> -> memref<128x128xf32, #tpu.memory_space<hbm>>
        tpu.enqueue_dma source(%arg14 : memref<128x128xf32, #tpu.memory_space<vmem>>) target(%dma_start3A_388 : memref<128x128xf32, #tpu.memory_space<hbm>>) target_semaphore(%arg26 : memref<!tpu.dma_semaphore, #tpu.memory_space<semaphore_mem>>)
      } else {
      }
      %ge3A_216 = arith.constant 4 : i32
      %ge3A_217 = arith.cmpi sge, %add3A_203, %ge3A_216 : i32
      %lt3A_218 = arith.constant 8 : i32
      %lt3A_219 = arith.cmpi slt, %add3A_203, %lt3A_218 : i32
      %and3A_220 = arith.andi %ge3A_217, %lt3A_219 : i1
      %convert_element_type3A_221 = arith.extui %and3A_220 : i1 to i32
      %cond3A_222 = arith.constant 0 : i32
      %cond3A_223 = arith.cmpi ne, %convert_element_type3A_221, %cond3A_222 : i32
      scf.if %cond3A_223 {
        %mul3A_380 = arith.constant 512 : i32
        %mul3A_381 = arith.muli %add3A, %mul3A_380 : i32
        %sub3A = arith.constant 4 : i32
        %sub3A_382 = arith.subi %add3A_203, %sub3A : i32
        %mul3A_383 = arith.constant 128 : i32
        %mul3A_384 = arith.muli %sub3A_382, %mul3A_383 : i32
        %add3A_385 = arith.addi %mul3A_381, %mul3A_384 : i32
        %dma_start3A_386 = arith.constant 0 : i32
        %dma_start3A_387 = tpu.memref_slice %arg8[%add3A_385, %dma_start3A_386] : memref<16384x128xf32, #tpu.memory_space<hbm>> -> memref<128x128xf32, #tpu.memory_space<hbm>>
        %dma_start3A_388 = arith.constant 0 : i32
        %dma_start3A_389 = tpu.memref_slice %arg8[%add3A_385, %dma_start3A_388] : memref<16384x128xf32, #tpu.memory_space<hbm>> -> memref<128x128xf32, #tpu.memory_space<hbm>>
        tpu.enqueue_dma source(%arg14 : memref<128x128xf32, #tpu.memory_space<vmem>>) target(%dma_start3A_389 : memref<128x128xf32, #tpu.memory_space<hbm>>) target_semaphore(%arg26 : memref<!tpu.dma_semaphore, #tpu.memory_space<semaphore_mem>>)
      } else {
      }
      %ge3A_224 = arith.constant 8 : i32
      %ge3A_225 = arith.cmpi sge, %add3A_203, %ge3A_224 : i32
      %convert_element_type3A_226 = arith.extui %ge3A_225 : i1 to i32
      %cond3A_227 = arith.constant 0 : i32
      %cond3A_228 = arith.cmpi ne, %convert_element_type3A_226, %cond3A_227 : i32
      scf.if %cond3A_228 {
        %sub3A = arith.constant 8 : i32
        %sub3A_380 = arith.subi %add3A_203, %sub3A : i32
        %dma_start3A_381 = arith.constant 0 : i32
        %dma_start3A_382 = tpu.memref_slice %arg11[%sub3A_380, %dma_start3A_381] : memref<80x128xi32, #tpu.memory_space<vmem>> -> memref<1x128xi32, #tpu.memory_space<vmem>>
        %dma_start3A_383 = tpu.memref_squeeze %dma_start3A_382 : memref<1x128xi32, #tpu.memory_space<vmem>> -> memref<128xi32, #tpu.memory_space<vmem>>
        %dma_start3A_384 = arith.constant 0 : i32
        %dma_start3A_385 = arith.constant 0 : i32
        %dma_start3A_386 = tpu.memref_slice %arg9[%dma_start3A_384, %dma_start3A_385] : memref<327680x128xf32, #tpu.memory_space<hbm>> -> memref<327680x128xf32, #tpu.memory_space<hbm>>
        tpu.enqueue_indirect_dma source(%arg14 : memref<128x128xf32, #tpu.memory_space<vmem>>) target(%dma_start3A_386 : memref<327680x128xf32, #tpu.memory_space<hbm>>) offsets(%dma_start3A_383 : memref<128xi32, #tpu.memory_space<vmem>>) semaphore(%arg26 : memref<!tpu.dma_semaphore, #tpu.memory_space<semaphore_mem>>)
      } else {
      }
      %add3A_229 = arith.constant 6 : i32
      %add3A_230 = arith.addi %add3A_203, %add3A_229 : i32
      %lt3A_231 = arith.constant 88 : i32
      %lt3A_232 = arith.cmpi slt, %add3A_230, %lt3A_231 : i32
      %convert_element_type3A_233 = arith.extui %lt3A_232 : i1 to i32
      %cond3A_234 = arith.constant 0 : i32
      %cond3A_235 = arith.cmpi ne, %convert_element_type3A_233, %cond3A_234 : i32
      scf.if %cond3A_235 {
        %lt3A_380 = arith.constant 8 : i32
        %lt3A_381 = arith.cmpi slt, %add3A_203, %lt3A_380 : i32
        %convert_element_type3A_382 = arith.extui %lt3A_381 : i1 to i32
        %cond3A_383 = arith.constant 0 : i32
        %cond3A_384 = arith.cmpi ne, %convert_element_type3A_382, %cond3A_383 : i32
        scf.if %cond3A_384 {
          %mul3A_402 = arith.constant 512 : i32
          %mul3A_403 = arith.muli %add3A, %mul3A_402 : i32
          %dma_wait3A_404 = arith.constant 0 : i32
          %dma_wait3A_405 = tpu.memref_slice %arg7[%mul3A_403, %dma_wait3A_404] : memref<16384x128xf32, #tpu.memory_space<hbm>> -> memref<128x128xf32, #tpu.memory_space<hbm>>
          %dma_wait3A_406 = arith.constant 0 : i32
          %dma_wait3A_407 = tpu.memref_slice %arg7[%mul3A_403, %dma_wait3A_406] : memref<16384x128xf32, #tpu.memory_space<hbm>> -> memref<128x128xf32, #tpu.memory_space<hbm>>
          tpu.wait_dma2 semaphore(%arg26 : memref<!tpu.dma_semaphore, #tpu.memory_space<semaphore_mem>>) src(%arg14 : memref<128x128xf32, #tpu.memory_space<vmem>>) dst(%dma_wait3A_407 : memref<128x128xf32, #tpu.memory_space<hbm>>)
        } else {
        }
        %ge3A_385 = arith.constant 8 : i32
        %ge3A_386 = arith.cmpi sge, %add3A_203, %ge3A_385 : i32
        %convert_element_type3A_387 = arith.extui %ge3A_386 : i1 to i32
        %cond3A_388 = arith.constant 0 : i32
        %cond3A_389 = arith.cmpi ne, %convert_element_type3A_387, %cond3A_388 : i32
        scf.if %cond3A_389 {
          %dma_wait3A_402 = arith.constant 0 : i32
          %dma_wait3A_403 = arith.constant 0 : i32
          %dma_wait3A_404 = tpu.memref_slice %arg11[%dma_wait3A_402, %dma_wait3A_403] : memref<80x128xi32, #tpu.memory_space<vmem>> -> memref<1x128xi32, #tpu.memory_space<vmem>>
          %dma_wait3A_405 = tpu.memref_squeeze %dma_wait3A_404 : memref<1x128xi32, #tpu.memory_space<vmem>> -> memref<128xi32, #tpu.memory_space<vmem>>
          %dma_wait3A_406 = arith.constant 0 : i32
          %dma_wait3A_407 = arith.constant 0 : i32
          %dma_wait3A_408 = tpu.memref_slice %arg9[%dma_wait3A_406, %dma_wait3A_407] : memref<327680x128xf32, #tpu.memory_space<hbm>> -> memref<327680x128xf32, #tpu.memory_space<hbm>>
          tpu.wait_indirect_dma semaphore(%arg26 : memref<!tpu.dma_semaphore, #tpu.memory_space<semaphore_mem>>) src(%arg14 : memref<128x128xf32, #tpu.memory_space<vmem>>) dst(%dma_wait3A_408 : memref<327680x128xf32, #tpu.memory_space<hbm>>)
        } else {
        }
        %add3A_390 = arith.constant 6 : i32
        %add3A_391 = arith.addi %add3A_203, %add3A_390 : i32
        %lt3A_392 = arith.constant 8 : i32
        %lt3A_393 = arith.cmpi slt, %add3A_391, %lt3A_392 : i32
        %convert_element_type3A_394 = arith.extui %lt3A_393 : i1 to i32
        %cond3A_395 = arith.constant 0 : i32
        %cond3A_396 = arith.cmpi ne, %convert_element_type3A_394, %cond3A_395 : i32
        scf.if %cond3A_396 {
          %dma_start3A_402 = arith.constant 0 : i32
          %dma_start3A_403 = tpu.memref_slice %arg12[%add3A_391, %dma_start3A_402] : memref<8x128xi32, #tpu.memory_space<vmem>> -> memref<1x128xi32, #tpu.memory_space<vmem>>
          %dma_start3A_404 = tpu.memref_squeeze %dma_start3A_403 : memref<1x128xi32, #tpu.memory_space<vmem>> -> memref<128xi32, #tpu.memory_space<vmem>>
          %dma_start3A_405 = arith.constant 0 : i32
          %dma_start3A_406 = arith.constant 0 : i32
          %dma_start3A_407 = tpu.memref_slice %arg6[%dma_start3A_405, %dma_start3A_406] : memref<100000x128xf32, #tpu.memory_space<hbm>> -> memref<100000x128xf32, #tpu.memory_space<hbm>>
          tpu.enqueue_indirect_dma source(%dma_start3A_407 : memref<100000x128xf32, #tpu.memory_space<hbm>>) target(%arg14 : memref<128x128xf32, #tpu.memory_space<vmem>>) offsets(%dma_start3A_404 : memref<128xi32, #tpu.memory_space<vmem>>) semaphore(%arg20 : memref<!tpu.dma_semaphore, #tpu.memory_space<semaphore_mem>>)
        } else {
        }
        %ge3A_397 = arith.constant 8 : i32
        %ge3A_398 = arith.cmpi sge, %add3A_391, %ge3A_397 : i32
        %convert_element_type3A_399 = arith.extui %ge3A_398 : i1 to i32
        %cond3A_400 = arith.constant 0 : i32
        %cond3A_401 = arith.cmpi ne, %convert_element_type3A_399, %cond3A_400 : i32
        scf.if %cond3A_401 {
          %sub3A = arith.constant 8 : i32
          %sub3A_402 = arith.subi %add3A_391, %sub3A : i32
          %dma_start3A_403 = arith.constant 0 : i32
          %dma_start3A_404 = tpu.memref_slice %arg10[%sub3A_402, %dma_start3A_403] : memref<80x128xi32, #tpu.memory_space<vmem>> -> memref<1x128xi32, #tpu.memory_space<vmem>>
          %dma_start3A_405 = tpu.memref_squeeze %dma_start3A_404 : memref<1x128xi32, #tpu.memory_space<vmem>> -> memref<128xi32, #tpu.memory_space<vmem>>
          %dma_start3A_406 = arith.constant 0 : i32
          %dma_start3A_407 = arith.constant 0 : i32
          %dma_start3A_408 = tpu.memref_slice %arg6[%dma_start3A_406, %dma_start3A_407] : memref<100000x128xf32, #tpu.memory_space<hbm>> -> memref<100000x128xf32, #tpu.memory_space<hbm>>
          tpu.enqueue_indirect_dma source(%dma_start3A_408 : memref<100000x128xf32, #tpu.memory_space<hbm>>) target(%arg14 : memref<128x128xf32, #tpu.memory_space<vmem>>) offsets(%dma_start3A_405 : memref<128xi32, #tpu.memory_space<vmem>>) semaphore(%arg20 : memref<!tpu.dma_semaphore, #tpu.memory_space<semaphore_mem>>)
        } else {
        }
      } else {
      }
      %mul3A_236 = arith.constant 6 : i32
      %mul3A_237 = arith.muli %scan3A_168, %mul3A_236 : i32
      %add3A_238 = arith.constant 2 : i32
      %add3A_239 = arith.addi %mul3A_237, %add3A_238 : i32
      %dma_wait3A_240 = arith.constant 0 : i32
      %dma_wait3A_241 = arith.constant 0 : i32
      %dma_wait3A_242 = tpu.memref_slice %arg10[%dma_wait3A_240, %dma_wait3A_241] : memref<80x128xi32, #tpu.memory_space<vmem>> -> memref<1x128xi32, #tpu.memory_space<vmem>>
      %dma_wait3A_243 = tpu.memref_squeeze %dma_wait3A_242 : memref<1x128xi32, #tpu.memory_space<vmem>> -> memref<128xi32, #tpu.memory_space<vmem>>
      %dma_wait3A_244 = arith.constant 0 : i32
      %dma_wait3A_245 = arith.constant 0 : i32
      %dma_wait3A_246 = tpu.memref_slice %arg6[%dma_wait3A_244, %dma_wait3A_245] : memref<100000x128xf32, #tpu.memory_space<hbm>> -> memref<100000x128xf32, #tpu.memory_space<hbm>>
      tpu.wait_indirect_dma semaphore(%arg21 : memref<!tpu.dma_semaphore, #tpu.memory_space<semaphore_mem>>) src(%dma_wait3A_246 : memref<100000x128xf32, #tpu.memory_space<hbm>>) dst(%arg15 : memref<128x128xf32, #tpu.memory_space<vmem>>)
      %lt3A_247 = arith.constant 4 : i32
      %lt3A_248 = arith.cmpi slt, %add3A_239, %lt3A_247 : i32
      %convert_element_type3A_249 = arith.extui %lt3A_248 : i1 to i32
      %cond3A_250 = arith.constant 0 : i32
      %cond3A_251 = arith.cmpi ne, %convert_element_type3A_249, %cond3A_250 : i32
      scf.if %cond3A_251 {
        %mul3A_380 = arith.constant 512 : i32
        %mul3A_381 = arith.muli %add3A, %mul3A_380 : i32
        %mul3A_382 = arith.constant 128 : i32
        %mul3A_383 = arith.muli %add3A_239, %mul3A_382 : i32
        %add3A_384 = arith.addi %mul3A_381, %mul3A_383 : i32
        %dma_start3A_385 = arith.constant 0 : i32
        %dma_start3A_386 = tpu.memref_slice %arg7[%add3A_384, %dma_start3A_385] : memref<16384x128xf32, #tpu.memory_space<hbm>> -> memref<128x128xf32, #tpu.memory_space<hbm>>
        %dma_start3A_387 = arith.constant 0 : i32
        %dma_start3A_388 = tpu.memref_slice %arg7[%add3A_384, %dma_start3A_387] : memref<16384x128xf32, #tpu.memory_space<hbm>> -> memref<128x128xf32, #tpu.memory_space<hbm>>
        tpu.enqueue_dma source(%arg15 : memref<128x128xf32, #tpu.memory_space<vmem>>) target(%dma_start3A_388 : memref<128x128xf32, #tpu.memory_space<hbm>>) target_semaphore(%arg27 : memref<!tpu.dma_semaphore, #tpu.memory_space<semaphore_mem>>)
      } else {
      }
      %ge3A_252 = arith.constant 4 : i32
      %ge3A_253 = arith.cmpi sge, %add3A_239, %ge3A_252 : i32
      %lt3A_254 = arith.constant 8 : i32
      %lt3A_255 = arith.cmpi slt, %add3A_239, %lt3A_254 : i32
      %and3A_256 = arith.andi %ge3A_253, %lt3A_255 : i1
      %convert_element_type3A_257 = arith.extui %and3A_256 : i1 to i32
      %cond3A_258 = arith.constant 0 : i32
      %cond3A_259 = arith.cmpi ne, %convert_element_type3A_257, %cond3A_258 : i32
      scf.if %cond3A_259 {
        %mul3A_380 = arith.constant 512 : i32
        %mul3A_381 = arith.muli %add3A, %mul3A_380 : i32
        %sub3A = arith.constant 4 : i32
        %sub3A_382 = arith.subi %add3A_239, %sub3A : i32
        %mul3A_383 = arith.constant 128 : i32
        %mul3A_384 = arith.muli %sub3A_382, %mul3A_383 : i32
        %add3A_385 = arith.addi %mul3A_381, %mul3A_384 : i32
        %dma_start3A_386 = arith.constant 0 : i32
        %dma_start3A_387 = tpu.memref_slice %arg8[%add3A_385, %dma_start3A_386] : memref<16384x128xf32, #tpu.memory_space<hbm>> -> memref<128x128xf32, #tpu.memory_space<hbm>>
        %dma_start3A_388 = arith.constant 0 : i32
        %dma_start3A_389 = tpu.memref_slice %arg8[%add3A_385, %dma_start3A_388] : memref<16384x128xf32, #tpu.memory_space<hbm>> -> memref<128x128xf32, #tpu.memory_space<hbm>>
        tpu.enqueue_dma source(%arg15 : memref<128x128xf32, #tpu.memory_space<vmem>>) target(%dma_start3A_389 : memref<128x128xf32, #tpu.memory_space<hbm>>) target_semaphore(%arg27 : memref<!tpu.dma_semaphore, #tpu.memory_space<semaphore_mem>>)
      } else {
      }
      %ge3A_260 = arith.constant 8 : i32
      %ge3A_261 = arith.cmpi sge, %add3A_239, %ge3A_260 : i32
      %convert_element_type3A_262 = arith.extui %ge3A_261 : i1 to i32
      %cond3A_263 = arith.constant 0 : i32
      %cond3A_264 = arith.cmpi ne, %convert_element_type3A_262, %cond3A_263 : i32
      scf.if %cond3A_264 {
        %sub3A = arith.constant 8 : i32
        %sub3A_380 = arith.subi %add3A_239, %sub3A : i32
        %dma_start3A_381 = arith.constant 0 : i32
        %dma_start3A_382 = tpu.memref_slice %arg11[%sub3A_380, %dma_start3A_381] : memref<80x128xi32, #tpu.memory_space<vmem>> -> memref<1x128xi32, #tpu.memory_space<vmem>>
        %dma_start3A_383 = tpu.memref_squeeze %dma_start3A_382 : memref<1x128xi32, #tpu.memory_space<vmem>> -> memref<128xi32, #tpu.memory_space<vmem>>
        %dma_start3A_384 = arith.constant 0 : i32
        %dma_start3A_385 = arith.constant 0 : i32
        %dma_start3A_386 = tpu.memref_slice %arg9[%dma_start3A_384, %dma_start3A_385] : memref<327680x128xf32, #tpu.memory_space<hbm>> -> memref<327680x128xf32, #tpu.memory_space<hbm>>
        tpu.enqueue_indirect_dma source(%arg15 : memref<128x128xf32, #tpu.memory_space<vmem>>) target(%dma_start3A_386 : memref<327680x128xf32, #tpu.memory_space<hbm>>) offsets(%dma_start3A_383 : memref<128xi32, #tpu.memory_space<vmem>>) semaphore(%arg27 : memref<!tpu.dma_semaphore, #tpu.memory_space<semaphore_mem>>)
      } else {
      }
      %add3A_265 = arith.constant 6 : i32
      %add3A_266 = arith.addi %add3A_239, %add3A_265 : i32
      %lt3A_267 = arith.constant 88 : i32
      %lt3A_268 = arith.cmpi slt, %add3A_266, %lt3A_267 : i32
      %convert_element_type3A_269 = arith.extui %lt3A_268 : i1 to i32
      %cond3A_270 = arith.constant 0 : i32
      %cond3A_271 = arith.cmpi ne, %convert_element_type3A_269, %cond3A_270 : i32
      scf.if %cond3A_271 {
        %lt3A_380 = arith.constant 8 : i32
        %lt3A_381 = arith.cmpi slt, %add3A_239, %lt3A_380 : i32
        %convert_element_type3A_382 = arith.extui %lt3A_381 : i1 to i32
        %cond3A_383 = arith.constant 0 : i32
        %cond3A_384 = arith.cmpi ne, %convert_element_type3A_382, %cond3A_383 : i32
        scf.if %cond3A_384 {
          %mul3A_402 = arith.constant 512 : i32
          %mul3A_403 = arith.muli %add3A, %mul3A_402 : i32
          %dma_wait3A_404 = arith.constant 0 : i32
          %dma_wait3A_405 = tpu.memref_slice %arg7[%mul3A_403, %dma_wait3A_404] : memref<16384x128xf32, #tpu.memory_space<hbm>> -> memref<128x128xf32, #tpu.memory_space<hbm>>
          %dma_wait3A_406 = arith.constant 0 : i32
          %dma_wait3A_407 = tpu.memref_slice %arg7[%mul3A_403, %dma_wait3A_406] : memref<16384x128xf32, #tpu.memory_space<hbm>> -> memref<128x128xf32, #tpu.memory_space<hbm>>
          tpu.wait_dma2 semaphore(%arg27 : memref<!tpu.dma_semaphore, #tpu.memory_space<semaphore_mem>>) src(%arg15 : memref<128x128xf32, #tpu.memory_space<vmem>>) dst(%dma_wait3A_407 : memref<128x128xf32, #tpu.memory_space<hbm>>)
        } else {
        }
        %ge3A_385 = arith.constant 8 : i32
        %ge3A_386 = arith.cmpi sge, %add3A_239, %ge3A_385 : i32
        %convert_element_type3A_387 = arith.extui %ge3A_386 : i1 to i32
        %cond3A_388 = arith.constant 0 : i32
        %cond3A_389 = arith.cmpi ne, %convert_element_type3A_387, %cond3A_388 : i32
        scf.if %cond3A_389 {
          %dma_wait3A_402 = arith.constant 0 : i32
          %dma_wait3A_403 = arith.constant 0 : i32
          %dma_wait3A_404 = tpu.memref_slice %arg11[%dma_wait3A_402, %dma_wait3A_403] : memref<80x128xi32, #tpu.memory_space<vmem>> -> memref<1x128xi32, #tpu.memory_space<vmem>>
          %dma_wait3A_405 = tpu.memref_squeeze %dma_wait3A_404 : memref<1x128xi32, #tpu.memory_space<vmem>> -> memref<128xi32, #tpu.memory_space<vmem>>
          %dma_wait3A_406 = arith.constant 0 : i32
          %dma_wait3A_407 = arith.constant 0 : i32
          %dma_wait3A_408 = tpu.memref_slice %arg9[%dma_wait3A_406, %dma_wait3A_407] : memref<327680x128xf32, #tpu.memory_space<hbm>> -> memref<327680x128xf32, #tpu.memory_space<hbm>>
          tpu.wait_indirect_dma semaphore(%arg27 : memref<!tpu.dma_semaphore, #tpu.memory_space<semaphore_mem>>) src(%arg15 : memref<128x128xf32, #tpu.memory_space<vmem>>) dst(%dma_wait3A_408 : memref<327680x128xf32, #tpu.memory_space<hbm>>)
        } else {
        }
        %add3A_390 = arith.constant 6 : i32
        %add3A_391 = arith.addi %add3A_239, %add3A_390 : i32
        %lt3A_392 = arith.constant 8 : i32
        %lt3A_393 = arith.cmpi slt, %add3A_391, %lt3A_392 : i32
        %convert_element_type3A_394 = arith.extui %lt3A_393 : i1 to i32
        %cond3A_395 = arith.constant 0 : i32
        %cond3A_396 = arith.cmpi ne, %convert_element_type3A_394, %cond3A_395 : i32
        scf.if %cond3A_396 {
          %dma_start3A_402 = arith.constant 0 : i32
          %dma_start3A_403 = tpu.memref_slice %arg12[%add3A_391, %dma_start3A_402] : memref<8x128xi32, #tpu.memory_space<vmem>> -> memref<1x128xi32, #tpu.memory_space<vmem>>
          %dma_start3A_404 = tpu.memref_squeeze %dma_start3A_403 : memref<1x128xi32, #tpu.memory_space<vmem>> -> memref<128xi32, #tpu.memory_space<vmem>>
          %dma_start3A_405 = arith.constant 0 : i32
          %dma_start3A_406 = arith.constant 0 : i32
          %dma_start3A_407 = tpu.memref_slice %arg6[%dma_start3A_405, %dma_start3A_406] : memref<100000x128xf32, #tpu.memory_space<hbm>> -> memref<100000x128xf32, #tpu.memory_space<hbm>>
          tpu.enqueue_indirect_dma source(%dma_start3A_407 : memref<100000x128xf32, #tpu.memory_space<hbm>>) target(%arg15 : memref<128x128xf32, #tpu.memory_space<vmem>>) offsets(%dma_start3A_404 : memref<128xi32, #tpu.memory_space<vmem>>) semaphore(%arg21 : memref<!tpu.dma_semaphore, #tpu.memory_space<semaphore_mem>>)
        } else {
        }
        %ge3A_397 = arith.constant 8 : i32
        %ge3A_398 = arith.cmpi sge, %add3A_391, %ge3A_397 : i32
        %convert_element_type3A_399 = arith.extui %ge3A_398 : i1 to i32
        %cond3A_400 = arith.constant 0 : i32
        %cond3A_401 = arith.cmpi ne, %convert_element_type3A_399, %cond3A_400 : i32
        scf.if %cond3A_401 {
          %sub3A = arith.constant 8 : i32
          %sub3A_402 = arith.subi %add3A_391, %sub3A : i32
          %dma_start3A_403 = arith.constant 0 : i32
          %dma_start3A_404 = tpu.memref_slice %arg10[%sub3A_402, %dma_start3A_403] : memref<80x128xi32, #tpu.memory_space<vmem>> -> memref<1x128xi32, #tpu.memory_space<vmem>>
          %dma_start3A_405 = tpu.memref_squeeze %dma_start3A_404 : memref<1x128xi32, #tpu.memory_space<vmem>> -> memref<128xi32, #tpu.memory_space<vmem>>
          %dma_start3A_406 = arith.constant 0 : i32
          %dma_start3A_407 = arith.constant 0 : i32
          %dma_start3A_408 = tpu.memref_slice %arg6[%dma_start3A_406, %dma_start3A_407] : memref<100000x128xf32, #tpu.memory_space<hbm>> -> memref<100000x128xf32, #tpu.memory_space<hbm>>
          tpu.enqueue_indirect_dma source(%dma_start3A_408 : memref<100000x128xf32, #tpu.memory_space<hbm>>) target(%arg15 : memref<128x128xf32, #tpu.memory_space<vmem>>) offsets(%dma_start3A_405 : memref<128xi32, #tpu.memory_space<vmem>>) semaphore(%arg21 : memref<!tpu.dma_semaphore, #tpu.memory_space<semaphore_mem>>)
        } else {
        }
      } else {
      }
      %mul3A_272 = arith.constant 6 : i32
      %mul3A_273 = arith.muli %scan3A_168, %mul3A_272 : i32
      %add3A_274 = arith.constant 3 : i32
      %add3A_275 = arith.addi %mul3A_273, %add3A_274 : i32
      %dma_wait3A_276 = arith.constant 0 : i32
      %dma_wait3A_277 = arith.constant 0 : i32
      %dma_wait3A_278 = tpu.memref_slice %arg10[%dma_wait3A_276, %dma_wait3A_277] : memref<80x128xi32, #tpu.memory_space<vmem>> -> memref<1x128xi32, #tpu.memory_space<vmem>>
      %dma_wait3A_279 = tpu.memref_squeeze %dma_wait3A_278 : memref<1x128xi32, #tpu.memory_space<vmem>> -> memref<128xi32, #tpu.memory_space<vmem>>
      %dma_wait3A_280 = arith.constant 0 : i32
      %dma_wait3A_281 = arith.constant 0 : i32
      %dma_wait3A_282 = tpu.memref_slice %arg6[%dma_wait3A_280, %dma_wait3A_281] : memref<100000x128xf32, #tpu.memory_space<hbm>> -> memref<100000x128xf32, #tpu.memory_space<hbm>>
      tpu.wait_indirect_dma semaphore(%arg22 : memref<!tpu.dma_semaphore, #tpu.memory_space<semaphore_mem>>) src(%dma_wait3A_282 : memref<100000x128xf32, #tpu.memory_space<hbm>>) dst(%arg16 : memref<128x128xf32, #tpu.memory_space<vmem>>)
      %lt3A_283 = arith.constant 4 : i32
      %lt3A_284 = arith.cmpi slt, %add3A_275, %lt3A_283 : i32
      %convert_element_type3A_285 = arith.extui %lt3A_284 : i1 to i32
      %cond3A_286 = arith.constant 0 : i32
      %cond3A_287 = arith.cmpi ne, %convert_element_type3A_285, %cond3A_286 : i32
      scf.if %cond3A_287 {
        %mul3A_380 = arith.constant 512 : i32
        %mul3A_381 = arith.muli %add3A, %mul3A_380 : i32
        %mul3A_382 = arith.constant 128 : i32
        %mul3A_383 = arith.muli %add3A_275, %mul3A_382 : i32
        %add3A_384 = arith.addi %mul3A_381, %mul3A_383 : i32
        %dma_start3A_385 = arith.constant 0 : i32
        %dma_start3A_386 = tpu.memref_slice %arg7[%add3A_384, %dma_start3A_385] : memref<16384x128xf32, #tpu.memory_space<hbm>> -> memref<128x128xf32, #tpu.memory_space<hbm>>
        %dma_start3A_387 = arith.constant 0 : i32
        %dma_start3A_388 = tpu.memref_slice %arg7[%add3A_384, %dma_start3A_387] : memref<16384x128xf32, #tpu.memory_space<hbm>> -> memref<128x128xf32, #tpu.memory_space<hbm>>
        tpu.enqueue_dma source(%arg16 : memref<128x128xf32, #tpu.memory_space<vmem>>) target(%dma_start3A_388 : memref<128x128xf32, #tpu.memory_space<hbm>>) target_semaphore(%arg28 : memref<!tpu.dma_semaphore, #tpu.memory_space<semaphore_mem>>)
      } else {
      }
      %ge3A_288 = arith.constant 4 : i32
      %ge3A_289 = arith.cmpi sge, %add3A_275, %ge3A_288 : i32
      %lt3A_290 = arith.constant 8 : i32
      %lt3A_291 = arith.cmpi slt, %add3A_275, %lt3A_290 : i32
      %and3A_292 = arith.andi %ge3A_289, %lt3A_291 : i1
      %convert_element_type3A_293 = arith.extui %and3A_292 : i1 to i32
      %cond3A_294 = arith.constant 0 : i32
      %cond3A_295 = arith.cmpi ne, %convert_element_type3A_293, %cond3A_294 : i32
      scf.if %cond3A_295 {
        %mul3A_380 = arith.constant 512 : i32
        %mul3A_381 = arith.muli %add3A, %mul3A_380 : i32
        %sub3A = arith.constant 4 : i32
        %sub3A_382 = arith.subi %add3A_275, %sub3A : i32
        %mul3A_383 = arith.constant 128 : i32
        %mul3A_384 = arith.muli %sub3A_382, %mul3A_383 : i32
        %add3A_385 = arith.addi %mul3A_381, %mul3A_384 : i32
        %dma_start3A_386 = arith.constant 0 : i32
        %dma_start3A_387 = tpu.memref_slice %arg8[%add3A_385, %dma_start3A_386] : memref<16384x128xf32, #tpu.memory_space<hbm>> -> memref<128x128xf32, #tpu.memory_space<hbm>>
        %dma_start3A_388 = arith.constant 0 : i32
        %dma_start3A_389 = tpu.memref_slice %arg8[%add3A_385, %dma_start3A_388] : memref<16384x128xf32, #tpu.memory_space<hbm>> -> memref<128x128xf32, #tpu.memory_space<hbm>>
        tpu.enqueue_dma source(%arg16 : memref<128x128xf32, #tpu.memory_space<vmem>>) target(%dma_start3A_389 : memref<128x128xf32, #tpu.memory_space<hbm>>) target_semaphore(%arg28 : memref<!tpu.dma_semaphore, #tpu.memory_space<semaphore_mem>>)
      } else {
      }
      %ge3A_296 = arith.constant 8 : i32
      %ge3A_297 = arith.cmpi sge, %add3A_275, %ge3A_296 : i32
      %convert_element_type3A_298 = arith.extui %ge3A_297 : i1 to i32
      %cond3A_299 = arith.constant 0 : i32
      %cond3A_300 = arith.cmpi ne, %convert_element_type3A_298, %cond3A_299 : i32
      scf.if %cond3A_300 {
        %sub3A = arith.constant 8 : i32
        %sub3A_380 = arith.subi %add3A_275, %sub3A : i32
        %dma_start3A_381 = arith.constant 0 : i32
        %dma_start3A_382 = tpu.memref_slice %arg11[%sub3A_380, %dma_start3A_381] : memref<80x128xi32, #tpu.memory_space<vmem>> -> memref<1x128xi32, #tpu.memory_space<vmem>>
        %dma_start3A_383 = tpu.memref_squeeze %dma_start3A_382 : memref<1x128xi32, #tpu.memory_space<vmem>> -> memref<128xi32, #tpu.memory_space<vmem>>
        %dma_start3A_384 = arith.constant 0 : i32
        %dma_start3A_385 = arith.constant 0 : i32
        %dma_start3A_386 = tpu.memref_slice %arg9[%dma_start3A_384, %dma_start3A_385] : memref<327680x128xf32, #tpu.memory_space<hbm>> -> memref<327680x128xf32, #tpu.memory_space<hbm>>
        tpu.enqueue_indirect_dma source(%arg16 : memref<128x128xf32, #tpu.memory_space<vmem>>) target(%dma_start3A_386 : memref<327680x128xf32, #tpu.memory_space<hbm>>) offsets(%dma_start3A_383 : memref<128xi32, #tpu.memory_space<vmem>>) semaphore(%arg28 : memref<!tpu.dma_semaphore, #tpu.memory_space<semaphore_mem>>)
      } else {
      }
      %add3A_301 = arith.constant 6 : i32
      %add3A_302 = arith.addi %add3A_275, %add3A_301 : i32
      %lt3A_303 = arith.constant 88 : i32
      %lt3A_304 = arith.cmpi slt, %add3A_302, %lt3A_303 : i32
      %convert_element_type3A_305 = arith.extui %lt3A_304 : i1 to i32
      %cond3A_306 = arith.constant 0 : i32
      %cond3A_307 = arith.cmpi ne, %convert_element_type3A_305, %cond3A_306 : i32
      scf.if %cond3A_307 {
        %lt3A_380 = arith.constant 8 : i32
        %lt3A_381 = arith.cmpi slt, %add3A_275, %lt3A_380 : i32
        %convert_element_type3A_382 = arith.extui %lt3A_381 : i1 to i32
        %cond3A_383 = arith.constant 0 : i32
        %cond3A_384 = arith.cmpi ne, %convert_element_type3A_382, %cond3A_383 : i32
        scf.if %cond3A_384 {
          %mul3A_402 = arith.constant 512 : i32
          %mul3A_403 = arith.muli %add3A, %mul3A_402 : i32
          %dma_wait3A_404 = arith.constant 0 : i32
          %dma_wait3A_405 = tpu.memref_slice %arg7[%mul3A_403, %dma_wait3A_404] : memref<16384x128xf32, #tpu.memory_space<hbm>> -> memref<128x128xf32, #tpu.memory_space<hbm>>
          %dma_wait3A_406 = arith.constant 0 : i32
          %dma_wait3A_407 = tpu.memref_slice %arg7[%mul3A_403, %dma_wait3A_406] : memref<16384x128xf32, #tpu.memory_space<hbm>> -> memref<128x128xf32, #tpu.memory_space<hbm>>
          tpu.wait_dma2 semaphore(%arg28 : memref<!tpu.dma_semaphore, #tpu.memory_space<semaphore_mem>>) src(%arg16 : memref<128x128xf32, #tpu.memory_space<vmem>>) dst(%dma_wait3A_407 : memref<128x128xf32, #tpu.memory_space<hbm>>)
        } else {
        }
        %ge3A_385 = arith.constant 8 : i32
        %ge3A_386 = arith.cmpi sge, %add3A_275, %ge3A_385 : i32
        %convert_element_type3A_387 = arith.extui %ge3A_386 : i1 to i32
        %cond3A_388 = arith.constant 0 : i32
        %cond3A_389 = arith.cmpi ne, %convert_element_type3A_387, %cond3A_388 : i32
        scf.if %cond3A_389 {
          %dma_wait3A_402 = arith.constant 0 : i32
          %dma_wait3A_403 = arith.constant 0 : i32
          %dma_wait3A_404 = tpu.memref_slice %arg11[%dma_wait3A_402, %dma_wait3A_403] : memref<80x128xi32, #tpu.memory_space<vmem>> -> memref<1x128xi32, #tpu.memory_space<vmem>>
          %dma_wait3A_405 = tpu.memref_squeeze %dma_wait3A_404 : memref<1x128xi32, #tpu.memory_space<vmem>> -> memref<128xi32, #tpu.memory_space<vmem>>
          %dma_wait3A_406 = arith.constant 0 : i32
          %dma_wait3A_407 = arith.constant 0 : i32
          %dma_wait3A_408 = tpu.memref_slice %arg9[%dma_wait3A_406, %dma_wait3A_407] : memref<327680x128xf32, #tpu.memory_space<hbm>> -> memref<327680x128xf32, #tpu.memory_space<hbm>>
          tpu.wait_indirect_dma semaphore(%arg28 : memref<!tpu.dma_semaphore, #tpu.memory_space<semaphore_mem>>) src(%arg16 : memref<128x128xf32, #tpu.memory_space<vmem>>) dst(%dma_wait3A_408 : memref<327680x128xf32, #tpu.memory_space<hbm>>)
        } else {
        }
        %add3A_390 = arith.constant 6 : i32
        %add3A_391 = arith.addi %add3A_275, %add3A_390 : i32
        %lt3A_392 = arith.constant 8 : i32
        %lt3A_393 = arith.cmpi slt, %add3A_391, %lt3A_392 : i32
        %convert_element_type3A_394 = arith.extui %lt3A_393 : i1 to i32
        %cond3A_395 = arith.constant 0 : i32
        %cond3A_396 = arith.cmpi ne, %convert_element_type3A_394, %cond3A_395 : i32
        scf.if %cond3A_396 {
          %dma_start3A_402 = arith.constant 0 : i32
          %dma_start3A_403 = tpu.memref_slice %arg12[%add3A_391, %dma_start3A_402] : memref<8x128xi32, #tpu.memory_space<vmem>> -> memref<1x128xi32, #tpu.memory_space<vmem>>
          %dma_start3A_404 = tpu.memref_squeeze %dma_start3A_403 : memref<1x128xi32, #tpu.memory_space<vmem>> -> memref<128xi32, #tpu.memory_space<vmem>>
          %dma_start3A_405 = arith.constant 0 : i32
          %dma_start3A_406 = arith.constant 0 : i32
          %dma_start3A_407 = tpu.memref_slice %arg6[%dma_start3A_405, %dma_start3A_406] : memref<100000x128xf32, #tpu.memory_space<hbm>> -> memref<100000x128xf32, #tpu.memory_space<hbm>>
          tpu.enqueue_indirect_dma source(%dma_start3A_407 : memref<100000x128xf32, #tpu.memory_space<hbm>>) target(%arg16 : memref<128x128xf32, #tpu.memory_space<vmem>>) offsets(%dma_start3A_404 : memref<128xi32, #tpu.memory_space<vmem>>) semaphore(%arg22 : memref<!tpu.dma_semaphore, #tpu.memory_space<semaphore_mem>>)
        } else {
        }
        %ge3A_397 = arith.constant 8 : i32
        %ge3A_398 = arith.cmpi sge, %add3A_391, %ge3A_397 : i32
        %convert_element_type3A_399 = arith.extui %ge3A_398 : i1 to i32
        %cond3A_400 = arith.constant 0 : i32
        %cond3A_401 = arith.cmpi ne, %convert_element_type3A_399, %cond3A_400 : i32
        scf.if %cond3A_401 {
          %sub3A = arith.constant 8 : i32
          %sub3A_402 = arith.subi %add3A_391, %sub3A : i32
          %dma_start3A_403 = arith.constant 0 : i32
          %dma_start3A_404 = tpu.memref_slice %arg10[%sub3A_402, %dma_start3A_403] : memref<80x128xi32, #tpu.memory_space<vmem>> -> memref<1x128xi32, #tpu.memory_space<vmem>>
          %dma_start3A_405 = tpu.memref_squeeze %dma_start3A_404 : memref<1x128xi32, #tpu.memory_space<vmem>> -> memref<128xi32, #tpu.memory_space<vmem>>
          %dma_start3A_406 = arith.constant 0 : i32
          %dma_start3A_407 = arith.constant 0 : i32
          %dma_start3A_408 = tpu.memref_slice %arg6[%dma_start3A_406, %dma_start3A_407] : memref<100000x128xf32, #tpu.memory_space<hbm>> -> memref<100000x128xf32, #tpu.memory_space<hbm>>
          tpu.enqueue_indirect_dma source(%dma_start3A_408 : memref<100000x128xf32, #tpu.memory_space<hbm>>) target(%arg16 : memref<128x128xf32, #tpu.memory_space<vmem>>) offsets(%dma_start3A_405 : memref<128xi32, #tpu.memory_space<vmem>>) semaphore(%arg22 : memref<!tpu.dma_semaphore, #tpu.memory_space<semaphore_mem>>)
        } else {
        }
      } else {
      }
      %mul3A_308 = arith.constant 6 : i32
      %mul3A_309 = arith.muli %scan3A_168, %mul3A_308 : i32
      %add3A_310 = arith.constant 4 : i32
      %add3A_311 = arith.addi %mul3A_309, %add3A_310 : i32
      %dma_wait3A_312 = arith.constant 0 : i32
      %dma_wait3A_313 = arith.constant 0 : i32
      %dma_wait3A_314 = tpu.memref_slice %arg10[%dma_wait3A_312, %dma_wait3A_313] : memref<80x128xi32, #tpu.memory_space<vmem>> -> memref<1x128xi32, #tpu.memory_space<vmem>>
      %dma_wait3A_315 = tpu.memref_squeeze %dma_wait3A_314 : memref<1x128xi32, #tpu.memory_space<vmem>> -> memref<128xi32, #tpu.memory_space<vmem>>
      %dma_wait3A_316 = arith.constant 0 : i32
      %dma_wait3A_317 = arith.constant 0 : i32
      %dma_wait3A_318 = tpu.memref_slice %arg6[%dma_wait3A_316, %dma_wait3A_317] : memref<100000x128xf32, #tpu.memory_space<hbm>> -> memref<100000x128xf32, #tpu.memory_space<hbm>>
      tpu.wait_indirect_dma semaphore(%arg23 : memref<!tpu.dma_semaphore, #tpu.memory_space<semaphore_mem>>) src(%dma_wait3A_318 : memref<100000x128xf32, #tpu.memory_space<hbm>>) dst(%arg17 : memref<128x128xf32, #tpu.memory_space<vmem>>)
      %lt3A_319 = arith.constant 4 : i32
      %lt3A_320 = arith.cmpi slt, %add3A_311, %lt3A_319 : i32
      %convert_element_type3A_321 = arith.extui %lt3A_320 : i1 to i32
      %cond3A_322 = arith.constant 0 : i32
      %cond3A_323 = arith.cmpi ne, %convert_element_type3A_321, %cond3A_322 : i32
      scf.if %cond3A_323 {
        %mul3A_380 = arith.constant 512 : i32
        %mul3A_381 = arith.muli %add3A, %mul3A_380 : i32
        %mul3A_382 = arith.constant 128 : i32
        %mul3A_383 = arith.muli %add3A_311, %mul3A_382 : i32
        %add3A_384 = arith.addi %mul3A_381, %mul3A_383 : i32
        %dma_start3A_385 = arith.constant 0 : i32
        %dma_start3A_386 = tpu.memref_slice %arg7[%add3A_384, %dma_start3A_385] : memref<16384x128xf32, #tpu.memory_space<hbm>> -> memref<128x128xf32, #tpu.memory_space<hbm>>
        %dma_start3A_387 = arith.constant 0 : i32
        %dma_start3A_388 = tpu.memref_slice %arg7[%add3A_384, %dma_start3A_387] : memref<16384x128xf32, #tpu.memory_space<hbm>> -> memref<128x128xf32, #tpu.memory_space<hbm>>
        tpu.enqueue_dma source(%arg17 : memref<128x128xf32, #tpu.memory_space<vmem>>) target(%dma_start3A_388 : memref<128x128xf32, #tpu.memory_space<hbm>>) target_semaphore(%arg29 : memref<!tpu.dma_semaphore, #tpu.memory_space<semaphore_mem>>)
      } else {
      }
      %ge3A_324 = arith.constant 4 : i32
      %ge3A_325 = arith.cmpi sge, %add3A_311, %ge3A_324 : i32
      %lt3A_326 = arith.constant 8 : i32
      %lt3A_327 = arith.cmpi slt, %add3A_311, %lt3A_326 : i32
      %and3A_328 = arith.andi %ge3A_325, %lt3A_327 : i1
      %convert_element_type3A_329 = arith.extui %and3A_328 : i1 to i32
      %cond3A_330 = arith.constant 0 : i32
      %cond3A_331 = arith.cmpi ne, %convert_element_type3A_329, %cond3A_330 : i32
      scf.if %cond3A_331 {
        %mul3A_380 = arith.constant 512 : i32
        %mul3A_381 = arith.muli %add3A, %mul3A_380 : i32
        %sub3A = arith.constant 4 : i32
        %sub3A_382 = arith.subi %add3A_311, %sub3A : i32
        %mul3A_383 = arith.constant 128 : i32
        %mul3A_384 = arith.muli %sub3A_382, %mul3A_383 : i32
        %add3A_385 = arith.addi %mul3A_381, %mul3A_384 : i32
        %dma_start3A_386 = arith.constant 0 : i32
        %dma_start3A_387 = tpu.memref_slice %arg8[%add3A_385, %dma_start3A_386] : memref<16384x128xf32, #tpu.memory_space<hbm>> -> memref<128x128xf32, #tpu.memory_space<hbm>>
        %dma_start3A_388 = arith.constant 0 : i32
        %dma_start3A_389 = tpu.memref_slice %arg8[%add3A_385, %dma_start3A_388] : memref<16384x128xf32, #tpu.memory_space<hbm>> -> memref<128x128xf32, #tpu.memory_space<hbm>>
        tpu.enqueue_dma source(%arg17 : memref<128x128xf32, #tpu.memory_space<vmem>>) target(%dma_start3A_389 : memref<128x128xf32, #tpu.memory_space<hbm>>) target_semaphore(%arg29 : memref<!tpu.dma_semaphore, #tpu.memory_space<semaphore_mem>>)
      } else {
      }
      %ge3A_332 = arith.constant 8 : i32
      %ge3A_333 = arith.cmpi sge, %add3A_311, %ge3A_332 : i32
      %convert_element_type3A_334 = arith.extui %ge3A_333 : i1 to i32
      %cond3A_335 = arith.constant 0 : i32
      %cond3A_336 = arith.cmpi ne, %convert_element_type3A_334, %cond3A_335 : i32
      scf.if %cond3A_336 {
        %sub3A = arith.constant 8 : i32
        %sub3A_380 = arith.subi %add3A_311, %sub3A : i32
        %dma_start3A_381 = arith.constant 0 : i32
        %dma_start3A_382 = tpu.memref_slice %arg11[%sub3A_380, %dma_start3A_381] : memref<80x128xi32, #tpu.memory_space<vmem>> -> memref<1x128xi32, #tpu.memory_space<vmem>>
        %dma_start3A_383 = tpu.memref_squeeze %dma_start3A_382 : memref<1x128xi32, #tpu.memory_space<vmem>> -> memref<128xi32, #tpu.memory_space<vmem>>
        %dma_start3A_384 = arith.constant 0 : i32
        %dma_start3A_385 = arith.constant 0 : i32
        %dma_start3A_386 = tpu.memref_slice %arg9[%dma_start3A_384, %dma_start3A_385] : memref<327680x128xf32, #tpu.memory_space<hbm>> -> memref<327680x128xf32, #tpu.memory_space<hbm>>
        tpu.enqueue_indirect_dma source(%arg17 : memref<128x128xf32, #tpu.memory_space<vmem>>) target(%dma_start3A_386 : memref<327680x128xf32, #tpu.memory_space<hbm>>) offsets(%dma_start3A_383 : memref<128xi32, #tpu.memory_space<vmem>>) semaphore(%arg29 : memref<!tpu.dma_semaphore, #tpu.memory_space<semaphore_mem>>)
      } else {
      }
      %add3A_337 = arith.constant 6 : i32
      %add3A_338 = arith.addi %add3A_311, %add3A_337 : i32
      %lt3A_339 = arith.constant 88 : i32
      %lt3A_340 = arith.cmpi slt, %add3A_338, %lt3A_339 : i32
      %convert_element_type3A_341 = arith.extui %lt3A_340 : i1 to i32
      %cond3A_342 = arith.constant 0 : i32
      %cond3A_343 = arith.cmpi ne, %convert_element_type3A_341, %cond3A_342 : i32
      scf.if %cond3A_343 {
        %lt3A_380 = arith.constant 8 : i32
        %lt3A_381 = arith.cmpi slt, %add3A_311, %lt3A_380 : i32
        %convert_element_type3A_382 = arith.extui %lt3A_381 : i1 to i32
        %cond3A_383 = arith.constant 0 : i32
        %cond3A_384 = arith.cmpi ne, %convert_element_type3A_382, %cond3A_383 : i32
        scf.if %cond3A_384 {
          %mul3A_402 = arith.constant 512 : i32
          %mul3A_403 = arith.muli %add3A, %mul3A_402 : i32
          %dma_wait3A_404 = arith.constant 0 : i32
          %dma_wait3A_405 = tpu.memref_slice %arg7[%mul3A_403, %dma_wait3A_404] : memref<16384x128xf32, #tpu.memory_space<hbm>> -> memref<128x128xf32, #tpu.memory_space<hbm>>
          %dma_wait3A_406 = arith.constant 0 : i32
          %dma_wait3A_407 = tpu.memref_slice %arg7[%mul3A_403, %dma_wait3A_406] : memref<16384x128xf32, #tpu.memory_space<hbm>> -> memref<128x128xf32, #tpu.memory_space<hbm>>
          tpu.wait_dma2 semaphore(%arg29 : memref<!tpu.dma_semaphore, #tpu.memory_space<semaphore_mem>>) src(%arg17 : memref<128x128xf32, #tpu.memory_space<vmem>>) dst(%dma_wait3A_407 : memref<128x128xf32, #tpu.memory_space<hbm>>)
        } else {
        }
        %ge3A_385 = arith.constant 8 : i32
        %ge3A_386 = arith.cmpi sge, %add3A_311, %ge3A_385 : i32
        %convert_element_type3A_387 = arith.extui %ge3A_386 : i1 to i32
        %cond3A_388 = arith.constant 0 : i32
        %cond3A_389 = arith.cmpi ne, %convert_element_type3A_387, %cond3A_388 : i32
        scf.if %cond3A_389 {
          %dma_wait3A_402 = arith.constant 0 : i32
          %dma_wait3A_403 = arith.constant 0 : i32
          %dma_wait3A_404 = tpu.memref_slice %arg11[%dma_wait3A_402, %dma_wait3A_403] : memref<80x128xi32, #tpu.memory_space<vmem>> -> memref<1x128xi32, #tpu.memory_space<vmem>>
          %dma_wait3A_405 = tpu.memref_squeeze %dma_wait3A_404 : memref<1x128xi32, #tpu.memory_space<vmem>> -> memref<128xi32, #tpu.memory_space<vmem>>
          %dma_wait3A_406 = arith.constant 0 : i32
          %dma_wait3A_407 = arith.constant 0 : i32
          %dma_wait3A_408 = tpu.memref_slice %arg9[%dma_wait3A_406, %dma_wait3A_407] : memref<327680x128xf32, #tpu.memory_space<hbm>> -> memref<327680x128xf32, #tpu.memory_space<hbm>>
          tpu.wait_indirect_dma semaphore(%arg29 : memref<!tpu.dma_semaphore, #tpu.memory_space<semaphore_mem>>) src(%arg17 : memref<128x128xf32, #tpu.memory_space<vmem>>) dst(%dma_wait3A_408 : memref<327680x128xf32, #tpu.memory_space<hbm>>)
        } else {
        }
        %add3A_390 = arith.constant 6 : i32
        %add3A_391 = arith.addi %add3A_311, %add3A_390 : i32
        %lt3A_392 = arith.constant 8 : i32
        %lt3A_393 = arith.cmpi slt, %add3A_391, %lt3A_392 : i32
        %convert_element_type3A_394 = arith.extui %lt3A_393 : i1 to i32
        %cond3A_395 = arith.constant 0 : i32
        %cond3A_396 = arith.cmpi ne, %convert_element_type3A_394, %cond3A_395 : i32
        scf.if %cond3A_396 {
          %dma_start3A_402 = arith.constant 0 : i32
          %dma_start3A_403 = tpu.memref_slice %arg12[%add3A_391, %dma_start3A_402] : memref<8x128xi32, #tpu.memory_space<vmem>> -> memref<1x128xi32, #tpu.memory_space<vmem>>
          %dma_start3A_404 = tpu.memref_squeeze %dma_start3A_403 : memref<1x128xi32, #tpu.memory_space<vmem>> -> memref<128xi32, #tpu.memory_space<vmem>>
          %dma_start3A_405 = arith.constant 0 : i32
          %dma_start3A_406 = arith.constant 0 : i32
          %dma_start3A_407 = tpu.memref_slice %arg6[%dma_start3A_405, %dma_start3A_406] : memref<100000x128xf32, #tpu.memory_space<hbm>> -> memref<100000x128xf32, #tpu.memory_space<hbm>>
          tpu.enqueue_indirect_dma source(%dma_start3A_407 : memref<100000x128xf32, #tpu.memory_space<hbm>>) target(%arg17 : memref<128x128xf32, #tpu.memory_space<vmem>>) offsets(%dma_start3A_404 : memref<128xi32, #tpu.memory_space<vmem>>) semaphore(%arg23 : memref<!tpu.dma_semaphore, #tpu.memory_space<semaphore_mem>>)
        } else {
        }
        %ge3A_397 = arith.constant 8 : i32
        %ge3A_398 = arith.cmpi sge, %add3A_391, %ge3A_397 : i32
        %convert_element_type3A_399 = arith.extui %ge3A_398 : i1 to i32
        %cond3A_400 = arith.constant 0 : i32
        %cond3A_401 = arith.cmpi ne, %convert_element_type3A_399, %cond3A_400 : i32
        scf.if %cond3A_401 {
          %sub3A = arith.constant 8 : i32
          %sub3A_402 = arith.subi %add3A_391, %sub3A : i32
          %dma_start3A_403 = arith.constant 0 : i32
          %dma_start3A_404 = tpu.memref_slice %arg10[%sub3A_402, %dma_start3A_403] : memref<80x128xi32, #tpu.memory_space<vmem>> -> memref<1x128xi32, #tpu.memory_space<vmem>>
          %dma_start3A_405 = tpu.memref_squeeze %dma_start3A_404 : memref<1x128xi32, #tpu.memory_space<vmem>> -> memref<128xi32, #tpu.memory_space<vmem>>
          %dma_start3A_406 = arith.constant 0 : i32
          %dma_start3A_407 = arith.constant 0 : i32
          %dma_start3A_408 = tpu.memref_slice %arg6[%dma_start3A_406, %dma_start3A_407] : memref<100000x128xf32, #tpu.memory_space<hbm>> -> memref<100000x128xf32, #tpu.memory_space<hbm>>
          tpu.enqueue_indirect_dma source(%dma_start3A_408 : memref<100000x128xf32, #tpu.memory_space<hbm>>) target(%arg17 : memref<128x128xf32, #tpu.memory_space<vmem>>) offsets(%dma_start3A_405 : memref<128xi32, #tpu.memory_space<vmem>>) semaphore(%arg23 : memref<!tpu.dma_semaphore, #tpu.memory_space<semaphore_mem>>)
        } else {
        }
      } else {
      }
      %mul3A_344 = arith.constant 6 : i32
      %mul3A_345 = arith.muli %scan3A_168, %mul3A_344 : i32
      %add3A_346 = arith.constant 5 : i32
      %add3A_347 = arith.addi %mul3A_345, %add3A_346 : i32
      %dma_wait3A_348 = arith.constant 0 : i32
      %dma_wait3A_349 = arith.constant 0 : i32
      %dma_wait3A_350 = tpu.memref_slice %arg10[%dma_wait3A_348, %dma_wait3A_349] : memref<80x128xi32, #tpu.memory_space<vmem>> -> memref<1x128xi32, #tpu.memory_space<vmem>>
      %dma_wait3A_351 = tpu.memref_squeeze %dma_wait3A_350 : memref<1x128xi32, #tpu.memory_space<vmem>> -> memref<128xi32, #tpu.memory_space<vmem>>
      %dma_wait3A_352 = arith.constant 0 : i32
      %dma_wait3A_353 = arith.constant 0 : i32
      %dma_wait3A_354 = tpu.memref_slice %arg6[%dma_wait3A_352, %dma_wait3A_353] : memref<100000x128xf32, #tpu.memory_space<hbm>> -> memref<100000x128xf32, #tpu.memory_space<hbm>>
      tpu.wait_indirect_dma semaphore(%arg24 : memref<!tpu.dma_semaphore, #tpu.memory_space<semaphore_mem>>) src(%dma_wait3A_354 : memref<100000x128xf32, #tpu.memory_space<hbm>>) dst(%arg18 : memref<128x128xf32, #tpu.memory_space<vmem>>)
      %lt3A_355 = arith.constant 4 : i32
      %lt3A_356 = arith.cmpi slt, %add3A_347, %lt3A_355 : i32
      %convert_element_type3A_357 = arith.extui %lt3A_356 : i1 to i32
      %cond3A_358 = arith.constant 0 : i32
      %cond3A_359 = arith.cmpi ne, %convert_element_type3A_357, %cond3A_358 : i32
      scf.if %cond3A_359 {
        %mul3A_380 = arith.constant 512 : i32
        %mul3A_381 = arith.muli %add3A, %mul3A_380 : i32
        %mul3A_382 = arith.constant 128 : i32
        %mul3A_383 = arith.muli %add3A_347, %mul3A_382 : i32
        %add3A_384 = arith.addi %mul3A_381, %mul3A_383 : i32
        %dma_start3A_385 = arith.constant 0 : i32
        %dma_start3A_386 = tpu.memref_slice %arg7[%add3A_384, %dma_start3A_385] : memref<16384x128xf32, #tpu.memory_space<hbm>> -> memref<128x128xf32, #tpu.memory_space<hbm>>
        %dma_start3A_387 = arith.constant 0 : i32
        %dma_start3A_388 = tpu.memref_slice %arg7[%add3A_384, %dma_start3A_387] : memref<16384x128xf32, #tpu.memory_space<hbm>> -> memref<128x128xf32, #tpu.memory_space<hbm>>
        tpu.enqueue_dma source(%arg18 : memref<128x128xf32, #tpu.memory_space<vmem>>) target(%dma_start3A_388 : memref<128x128xf32, #tpu.memory_space<hbm>>) target_semaphore(%arg30 : memref<!tpu.dma_semaphore, #tpu.memory_space<semaphore_mem>>)
      } else {
      }
      %ge3A_360 = arith.constant 4 : i32
      %ge3A_361 = arith.cmpi sge, %add3A_347, %ge3A_360 : i32
      %lt3A_362 = arith.constant 8 : i32
      %lt3A_363 = arith.cmpi slt, %add3A_347, %lt3A_362 : i32
      %and3A_364 = arith.andi %ge3A_361, %lt3A_363 : i1
      %convert_element_type3A_365 = arith.extui %and3A_364 : i1 to i32
      %cond3A_366 = arith.constant 0 : i32
      %cond3A_367 = arith.cmpi ne, %convert_element_type3A_365, %cond3A_366 : i32
      scf.if %cond3A_367 {
        %mul3A_380 = arith.constant 512 : i32
        %mul3A_381 = arith.muli %add3A, %mul3A_380 : i32
        %sub3A = arith.constant 4 : i32
        %sub3A_382 = arith.subi %add3A_347, %sub3A : i32
        %mul3A_383 = arith.constant 128 : i32
        %mul3A_384 = arith.muli %sub3A_382, %mul3A_383 : i32
        %add3A_385 = arith.addi %mul3A_381, %mul3A_384 : i32
        %dma_start3A_386 = arith.constant 0 : i32
        %dma_start3A_387 = tpu.memref_slice %arg8[%add3A_385, %dma_start3A_386] : memref<16384x128xf32, #tpu.memory_space<hbm>> -> memref<128x128xf32, #tpu.memory_space<hbm>>
        %dma_start3A_388 = arith.constant 0 : i32
        %dma_start3A_389 = tpu.memref_slice %arg8[%add3A_385, %dma_start3A_388] : memref<16384x128xf32, #tpu.memory_space<hbm>> -> memref<128x128xf32, #tpu.memory_space<hbm>>
        tpu.enqueue_dma source(%arg18 : memref<128x128xf32, #tpu.memory_space<vmem>>) target(%dma_start3A_389 : memref<128x128xf32, #tpu.memory_space<hbm>>) target_semaphore(%arg30 : memref<!tpu.dma_semaphore, #tpu.memory_space<semaphore_mem>>)
      } else {
      }
      %ge3A_368 = arith.constant 8 : i32
      %ge3A_369 = arith.cmpi sge, %add3A_347, %ge3A_368 : i32
      %convert_element_type3A_370 = arith.extui %ge3A_369 : i1 to i32
      %cond3A_371 = arith.constant 0 : i32
      %cond3A_372 = arith.cmpi ne, %convert_element_type3A_370, %cond3A_371 : i32
      scf.if %cond3A_372 {
        %sub3A = arith.constant 8 : i32
        %sub3A_380 = arith.subi %add3A_347, %sub3A : i32
        %dma_start3A_381 = arith.constant 0 : i32
        %dma_start3A_382 = tpu.memref_slice %arg11[%sub3A_380, %dma_start3A_381] : memref<80x128xi32, #tpu.memory_space<vmem>> -> memref<1x128xi32, #tpu.memory_space<vmem>>
        %dma_start3A_383 = tpu.memref_squeeze %dma_start3A_382 : memref<1x128xi32, #tpu.memory_space<vmem>> -> memref<128xi32, #tpu.memory_space<vmem>>
        %dma_start3A_384 = arith.constant 0 : i32
        %dma_start3A_385 = arith.constant 0 : i32
        %dma_start3A_386 = tpu.memref_slice %arg9[%dma_start3A_384, %dma_start3A_385] : memref<327680x128xf32, #tpu.memory_space<hbm>> -> memref<327680x128xf32, #tpu.memory_space<hbm>>
        tpu.enqueue_indirect_dma source(%arg18 : memref<128x128xf32, #tpu.memory_space<vmem>>) target(%dma_start3A_386 : memref<327680x128xf32, #tpu.memory_space<hbm>>) offsets(%dma_start3A_383 : memref<128xi32, #tpu.memory_space<vmem>>) semaphore(%arg30 : memref<!tpu.dma_semaphore, #tpu.memory_space<semaphore_mem>>)
      } else {
      }
      %add3A_373 = arith.constant 6 : i32
      %add3A_374 = arith.addi %add3A_347, %add3A_373 : i32
      %lt3A_375 = arith.constant 88 : i32
      %lt3A_376 = arith.cmpi slt, %add3A_374, %lt3A_375 : i32
      %convert_element_type3A_377 = arith.extui %lt3A_376 : i1 to i32
      %cond3A_378 = arith.constant 0 : i32
      %cond3A_379 = arith.cmpi ne, %convert_element_type3A_377, %cond3A_378 : i32
      scf.if %cond3A_379 {
        %lt3A_380 = arith.constant 8 : i32
        %lt3A_381 = arith.cmpi slt, %add3A_347, %lt3A_380 : i32
        %convert_element_type3A_382 = arith.extui %lt3A_381 : i1 to i32
        %cond3A_383 = arith.constant 0 : i32
        %cond3A_384 = arith.cmpi ne, %convert_element_type3A_382, %cond3A_383 : i32
        scf.if %cond3A_384 {
          %mul3A_402 = arith.constant 512 : i32
          %mul3A_403 = arith.muli %add3A, %mul3A_402 : i32
          %dma_wait3A_404 = arith.constant 0 : i32
          %dma_wait3A_405 = tpu.memref_slice %arg7[%mul3A_403, %dma_wait3A_404] : memref<16384x128xf32, #tpu.memory_space<hbm>> -> memref<128x128xf32, #tpu.memory_space<hbm>>
          %dma_wait3A_406 = arith.constant 0 : i32
          %dma_wait3A_407 = tpu.memref_slice %arg7[%mul3A_403, %dma_wait3A_406] : memref<16384x128xf32, #tpu.memory_space<hbm>> -> memref<128x128xf32, #tpu.memory_space<hbm>>
          tpu.wait_dma2 semaphore(%arg30 : memref<!tpu.dma_semaphore, #tpu.memory_space<semaphore_mem>>) src(%arg18 : memref<128x128xf32, #tpu.memory_space<vmem>>) dst(%dma_wait3A_407 : memref<128x128xf32, #tpu.memory_space<hbm>>)
        } else {
        }
        %ge3A_385 = arith.constant 8 : i32
        %ge3A_386 = arith.cmpi sge, %add3A_347, %ge3A_385 : i32
        %convert_element_type3A_387 = arith.extui %ge3A_386 : i1 to i32
        %cond3A_388 = arith.constant 0 : i32
        %cond3A_389 = arith.cmpi ne, %convert_element_type3A_387, %cond3A_388 : i32
        scf.if %cond3A_389 {
          %dma_wait3A_402 = arith.constant 0 : i32
          %dma_wait3A_403 = arith.constant 0 : i32
          %dma_wait3A_404 = tpu.memref_slice %arg11[%dma_wait3A_402, %dma_wait3A_403] : memref<80x128xi32, #tpu.memory_space<vmem>> -> memref<1x128xi32, #tpu.memory_space<vmem>>
          %dma_wait3A_405 = tpu.memref_squeeze %dma_wait3A_404 : memref<1x128xi32, #tpu.memory_space<vmem>> -> memref<128xi32, #tpu.memory_space<vmem>>
          %dma_wait3A_406 = arith.constant 0 : i32
          %dma_wait3A_407 = arith.constant 0 : i32
          %dma_wait3A_408 = tpu.memref_slice %arg9[%dma_wait3A_406, %dma_wait3A_407] : memref<327680x128xf32, #tpu.memory_space<hbm>> -> memref<327680x128xf32, #tpu.memory_space<hbm>>
          tpu.wait_indirect_dma semaphore(%arg30 : memref<!tpu.dma_semaphore, #tpu.memory_space<semaphore_mem>>) src(%arg18 : memref<128x128xf32, #tpu.memory_space<vmem>>) dst(%dma_wait3A_408 : memref<327680x128xf32, #tpu.memory_space<hbm>>)
        } else {
        }
        %add3A_390 = arith.constant 6 : i32
        %add3A_391 = arith.addi %add3A_347, %add3A_390 : i32
        %lt3A_392 = arith.constant 8 : i32
        %lt3A_393 = arith.cmpi slt, %add3A_391, %lt3A_392 : i32
        %convert_element_type3A_394 = arith.extui %lt3A_393 : i1 to i32
        %cond3A_395 = arith.constant 0 : i32
        %cond3A_396 = arith.cmpi ne, %convert_element_type3A_394, %cond3A_395 : i32
        scf.if %cond3A_396 {
          %dma_start3A_402 = arith.constant 0 : i32
          %dma_start3A_403 = tpu.memref_slice %arg12[%add3A_391, %dma_start3A_402] : memref<8x128xi32, #tpu.memory_space<vmem>> -> memref<1x128xi32, #tpu.memory_space<vmem>>
          %dma_start3A_404 = tpu.memref_squeeze %dma_start3A_403 : memref<1x128xi32, #tpu.memory_space<vmem>> -> memref<128xi32, #tpu.memory_space<vmem>>
          %dma_start3A_405 = arith.constant 0 : i32
          %dma_start3A_406 = arith.constant 0 : i32
          %dma_start3A_407 = tpu.memref_slice %arg6[%dma_start3A_405, %dma_start3A_406] : memref<100000x128xf32, #tpu.memory_space<hbm>> -> memref<100000x128xf32, #tpu.memory_space<hbm>>
          tpu.enqueue_indirect_dma source(%dma_start3A_407 : memref<100000x128xf32, #tpu.memory_space<hbm>>) target(%arg18 : memref<128x128xf32, #tpu.memory_space<vmem>>) offsets(%dma_start3A_404 : memref<128xi32, #tpu.memory_space<vmem>>) semaphore(%arg24 : memref<!tpu.dma_semaphore, #tpu.memory_space<semaphore_mem>>)
        } else {
        }
        %ge3A_397 = arith.constant 8 : i32
        %ge3A_398 = arith.cmpi sge, %add3A_391, %ge3A_397 : i32
        %convert_element_type3A_399 = arith.extui %ge3A_398 : i1 to i32
        %cond3A_400 = arith.constant 0 : i32
        %cond3A_401 = arith.cmpi ne, %convert_element_type3A_399, %cond3A_400 : i32
        scf.if %cond3A_401 {
          %sub3A = arith.constant 8 : i32
          %sub3A_402 = arith.subi %add3A_391, %sub3A : i32
          %dma_start3A_403 = arith.constant 0 : i32
          %dma_start3A_404 = tpu.memref_slice %arg10[%sub3A_402, %dma_start3A_403] : memref<80x128xi32, #tpu.memory_space<vmem>> -> memref<1x128xi32, #tpu.memory_space<vmem>>
          %dma_start3A_405 = tpu.memref_squeeze %dma_start3A_404 : memref<1x128xi32, #tpu.memory_space<vmem>> -> memref<128xi32, #tpu.memory_space<vmem>>
          %dma_start3A_406 = arith.constant 0 : i32
          %dma_start3A_407 = arith.constant 0 : i32
          %dma_start3A_408 = tpu.memref_slice %arg6[%dma_start3A_406, %dma_start3A_407] : memref<100000x128xf32, #tpu.memory_space<hbm>> -> memref<100000x128xf32, #tpu.memory_space<hbm>>
          tpu.enqueue_indirect_dma source(%dma_start3A_408 : memref<100000x128xf32, #tpu.memory_space<hbm>>) target(%arg18 : memref<128x128xf32, #tpu.memory_space<vmem>>) offsets(%dma_start3A_405 : memref<128xi32, #tpu.memory_space<vmem>>) semaphore(%arg24 : memref<!tpu.dma_semaphore, #tpu.memory_space<semaphore_mem>>)
        } else {
        }
      } else {
      }
    }
    %scan3A_69 = arith.constant 14 : i32
    %dma_wait3A_70 = arith.constant 0 : i32
    %dma_wait3A_71 = arith.constant 0 : i32
    %dma_wait3A_72 = tpu.memref_slice %arg10[%dma_wait3A_70, %dma_wait3A_71] : memref<80x128xi32, #tpu.memory_space<vmem>> -> memref<1x128xi32, #tpu.memory_space<vmem>>
    %dma_wait3A_73 = tpu.memref_squeeze %dma_wait3A_72 : memref<1x128xi32, #tpu.memory_space<vmem>> -> memref<128xi32, #tpu.memory_space<vmem>>
    %dma_wait3A_74 = arith.constant 0 : i32
    %dma_wait3A_75 = arith.constant 0 : i32
    %dma_wait3A_76 = tpu.memref_slice %arg6[%dma_wait3A_74, %dma_wait3A_75] : memref<100000x128xf32, #tpu.memory_space<hbm>> -> memref<100000x128xf32, #tpu.memory_space<hbm>>
    tpu.wait_indirect_dma semaphore(%arg19 : memref<!tpu.dma_semaphore, #tpu.memory_space<semaphore_mem>>) src(%dma_wait3A_76 : memref<100000x128xf32, #tpu.memory_space<hbm>>) dst(%arg13 : memref<128x128xf32, #tpu.memory_space<vmem>>)
    %dma_start3A_77 = arith.constant 76 : i32
    %dma_start3A_78 = arith.constant 0 : i32
    %dma_start3A_79 = tpu.memref_slice %arg11[%dma_start3A_77, %dma_start3A_78] : memref<80x128xi32, #tpu.memory_space<vmem>> -> memref<1x128xi32, #tpu.memory_space<vmem>>
    %dma_start3A_80 = tpu.memref_squeeze %dma_start3A_79 : memref<1x128xi32, #tpu.memory_space<vmem>> -> memref<128xi32, #tpu.memory_space<vmem>>
    %dma_start3A_81 = arith.constant 0 : i32
    %dma_start3A_82 = arith.constant 0 : i32
    %dma_start3A_83 = tpu.memref_slice %arg9[%dma_start3A_81, %dma_start3A_82] : memref<327680x128xf32, #tpu.memory_space<hbm>> -> memref<327680x128xf32, #tpu.memory_space<hbm>>
    tpu.enqueue_indirect_dma source(%arg13 : memref<128x128xf32, #tpu.memory_space<vmem>>) target(%dma_start3A_83 : memref<327680x128xf32, #tpu.memory_space<hbm>>) offsets(%dma_start3A_80 : memref<128xi32, #tpu.memory_space<vmem>>) semaphore(%arg25 : memref<!tpu.dma_semaphore, #tpu.memory_space<semaphore_mem>>)
    %dma_wait3A_84 = arith.constant 0 : i32
    %dma_wait3A_85 = arith.constant 0 : i32
    %dma_wait3A_86 = tpu.memref_slice %arg10[%dma_wait3A_84, %dma_wait3A_85] : memref<80x128xi32, #tpu.memory_space<vmem>> -> memref<1x128xi32, #tpu.memory_space<vmem>>
    %dma_wait3A_87 = tpu.memref_squeeze %dma_wait3A_86 : memref<1x128xi32, #tpu.memory_space<vmem>> -> memref<128xi32, #tpu.memory_space<vmem>>
    %dma_wait3A_88 = arith.constant 0 : i32
    %dma_wait3A_89 = arith.constant 0 : i32
    %dma_wait3A_90 = tpu.memref_slice %arg6[%dma_wait3A_88, %dma_wait3A_89] : memref<100000x128xf32, #tpu.memory_space<hbm>> -> memref<100000x128xf32, #tpu.memory_space<hbm>>
    tpu.wait_indirect_dma semaphore(%arg20 : memref<!tpu.dma_semaphore, #tpu.memory_space<semaphore_mem>>) src(%dma_wait3A_90 : memref<100000x128xf32, #tpu.memory_space<hbm>>) dst(%arg14 : memref<128x128xf32, #tpu.memory_space<vmem>>)
    %dma_start3A_91 = arith.constant 77 : i32
    %dma_start3A_92 = arith.constant 0 : i32
    %dma_start3A_93 = tpu.memref_slice %arg11[%dma_start3A_91, %dma_start3A_92] : memref<80x128xi32, #tpu.memory_space<vmem>> -> memref<1x128xi32, #tpu.memory_space<vmem>>
    %dma_start3A_94 = tpu.memref_squeeze %dma_start3A_93 : memref<1x128xi32, #tpu.memory_space<vmem>> -> memref<128xi32, #tpu.memory_space<vmem>>
    %dma_start3A_95 = arith.constant 0 : i32
    %dma_start3A_96 = arith.constant 0 : i32
    %dma_start3A_97 = tpu.memref_slice %arg9[%dma_start3A_95, %dma_start3A_96] : memref<327680x128xf32, #tpu.memory_space<hbm>> -> memref<327680x128xf32, #tpu.memory_space<hbm>>
    tpu.enqueue_indirect_dma source(%arg14 : memref<128x128xf32, #tpu.memory_space<vmem>>) target(%dma_start3A_97 : memref<327680x128xf32, #tpu.memory_space<hbm>>) offsets(%dma_start3A_94 : memref<128xi32, #tpu.memory_space<vmem>>) semaphore(%arg26 : memref<!tpu.dma_semaphore, #tpu.memory_space<semaphore_mem>>)
    %dma_wait3A_98 = arith.constant 0 : i32
    %dma_wait3A_99 = arith.constant 0 : i32
    %dma_wait3A_100 = tpu.memref_slice %arg10[%dma_wait3A_98, %dma_wait3A_99] : memref<80x128xi32, #tpu.memory_space<vmem>> -> memref<1x128xi32, #tpu.memory_space<vmem>>
    %dma_wait3A_101 = tpu.memref_squeeze %dma_wait3A_100 : memref<1x128xi32, #tpu.memory_space<vmem>> -> memref<128xi32, #tpu.memory_space<vmem>>
    %dma_wait3A_102 = arith.constant 0 : i32
    %dma_wait3A_103 = arith.constant 0 : i32
    %dma_wait3A_104 = tpu.memref_slice %arg6[%dma_wait3A_102, %dma_wait3A_103] : memref<100000x128xf32, #tpu.memory_space<hbm>> -> memref<100000x128xf32, #tpu.memory_space<hbm>>
    tpu.wait_indirect_dma semaphore(%arg21 : memref<!tpu.dma_semaphore, #tpu.memory_space<semaphore_mem>>) src(%dma_wait3A_104 : memref<100000x128xf32, #tpu.memory_space<hbm>>) dst(%arg15 : memref<128x128xf32, #tpu.memory_space<vmem>>)
    %dma_start3A_105 = arith.constant 78 : i32
    %dma_start3A_106 = arith.constant 0 : i32
    %dma_start3A_107 = tpu.memref_slice %arg11[%dma_start3A_105, %dma_start3A_106] : memref<80x128xi32, #tpu.memory_space<vmem>> -> memref<1x128xi32, #tpu.memory_space<vmem>>
    %dma_start3A_108 = tpu.memref_squeeze %dma_start3A_107 : memref<1x128xi32, #tpu.memory_space<vmem>> -> memref<128xi32, #tpu.memory_space<vmem>>
    %dma_start3A_109 = arith.constant 0 : i32
    %dma_start3A_110 = arith.constant 0 : i32
    %dma_start3A_111 = tpu.memref_slice %arg9[%dma_start3A_109, %dma_start3A_110] : memref<327680x128xf32, #tpu.memory_space<hbm>> -> memref<327680x128xf32, #tpu.memory_space<hbm>>
    tpu.enqueue_indirect_dma source(%arg15 : memref<128x128xf32, #tpu.memory_space<vmem>>) target(%dma_start3A_111 : memref<327680x128xf32, #tpu.memory_space<hbm>>) offsets(%dma_start3A_108 : memref<128xi32, #tpu.memory_space<vmem>>) semaphore(%arg27 : memref<!tpu.dma_semaphore, #tpu.memory_space<semaphore_mem>>)
    %dma_wait3A_112 = arith.constant 0 : i32
    %dma_wait3A_113 = arith.constant 0 : i32
    %dma_wait3A_114 = tpu.memref_slice %arg10[%dma_wait3A_112, %dma_wait3A_113] : memref<80x128xi32, #tpu.memory_space<vmem>> -> memref<1x128xi32, #tpu.memory_space<vmem>>
    %dma_wait3A_115 = tpu.memref_squeeze %dma_wait3A_114 : memref<1x128xi32, #tpu.memory_space<vmem>> -> memref<128xi32, #tpu.memory_space<vmem>>
    %dma_wait3A_116 = arith.constant 0 : i32
    %dma_wait3A_117 = arith.constant 0 : i32
    %dma_wait3A_118 = tpu.memref_slice %arg6[%dma_wait3A_116, %dma_wait3A_117] : memref<100000x128xf32, #tpu.memory_space<hbm>> -> memref<100000x128xf32, #tpu.memory_space<hbm>>
    tpu.wait_indirect_dma semaphore(%arg22 : memref<!tpu.dma_semaphore, #tpu.memory_space<semaphore_mem>>) src(%dma_wait3A_118 : memref<100000x128xf32, #tpu.memory_space<hbm>>) dst(%arg16 : memref<128x128xf32, #tpu.memory_space<vmem>>)
    %dma_start3A_119 = arith.constant 79 : i32
    %dma_start3A_120 = arith.constant 0 : i32
    %dma_start3A_121 = tpu.memref_slice %arg11[%dma_start3A_119, %dma_start3A_120] : memref<80x128xi32, #tpu.memory_space<vmem>> -> memref<1x128xi32, #tpu.memory_space<vmem>>
    %dma_start3A_122 = tpu.memref_squeeze %dma_start3A_121 : memref<1x128xi32, #tpu.memory_space<vmem>> -> memref<128xi32, #tpu.memory_space<vmem>>
    %dma_start3A_123 = arith.constant 0 : i32
    %dma_start3A_124 = arith.constant 0 : i32
    %dma_start3A_125 = tpu.memref_slice %arg9[%dma_start3A_123, %dma_start3A_124] : memref<327680x128xf32, #tpu.memory_space<hbm>> -> memref<327680x128xf32, #tpu.memory_space<hbm>>
    tpu.enqueue_indirect_dma source(%arg16 : memref<128x128xf32, #tpu.memory_space<vmem>>) target(%dma_start3A_125 : memref<327680x128xf32, #tpu.memory_space<hbm>>) offsets(%dma_start3A_122 : memref<128xi32, #tpu.memory_space<vmem>>) semaphore(%arg28 : memref<!tpu.dma_semaphore, #tpu.memory_space<semaphore_mem>>)
    %dma_wait3A_126 = arith.constant 76 : i32
    %dma_wait3A_127 = arith.constant 0 : i32
    %dma_wait3A_128 = tpu.memref_slice %arg11[%dma_wait3A_126, %dma_wait3A_127] : memref<80x128xi32, #tpu.memory_space<vmem>> -> memref<1x128xi32, #tpu.memory_space<vmem>>
    %dma_wait3A_129 = tpu.memref_squeeze %dma_wait3A_128 : memref<1x128xi32, #tpu.memory_space<vmem>> -> memref<128xi32, #tpu.memory_space<vmem>>
    %dma_wait3A_130 = arith.constant 0 : i32
    %dma_wait3A_131 = arith.constant 0 : i32
    %dma_wait3A_132 = tpu.memref_slice %arg9[%dma_wait3A_130, %dma_wait3A_131] : memref<327680x128xf32, #tpu.memory_space<hbm>> -> memref<327680x128xf32, #tpu.memory_space<hbm>>
    tpu.wait_indirect_dma semaphore(%arg25 : memref<!tpu.dma_semaphore, #tpu.memory_space<semaphore_mem>>) src(%arg13 : memref<128x128xf32, #tpu.memory_space<vmem>>) dst(%dma_wait3A_132 : memref<327680x128xf32, #tpu.memory_space<hbm>>)
    %dma_wait3A_133 = arith.constant 77 : i32
    %dma_wait3A_134 = arith.constant 0 : i32
    %dma_wait3A_135 = tpu.memref_slice %arg11[%dma_wait3A_133, %dma_wait3A_134] : memref<80x128xi32, #tpu.memory_space<vmem>> -> memref<1x128xi32, #tpu.memory_space<vmem>>
    %dma_wait3A_136 = tpu.memref_squeeze %dma_wait3A_135 : memref<1x128xi32, #tpu.memory_space<vmem>> -> memref<128xi32, #tpu.memory_space<vmem>>
    %dma_wait3A_137 = arith.constant 0 : i32
    %dma_wait3A_138 = arith.constant 0 : i32
    %dma_wait3A_139 = tpu.memref_slice %arg9[%dma_wait3A_137, %dma_wait3A_138] : memref<327680x128xf32, #tpu.memory_space<hbm>> -> memref<327680x128xf32, #tpu.memory_space<hbm>>
    tpu.wait_indirect_dma semaphore(%arg26 : memref<!tpu.dma_semaphore, #tpu.memory_space<semaphore_mem>>) src(%arg14 : memref<128x128xf32, #tpu.memory_space<vmem>>) dst(%dma_wait3A_139 : memref<327680x128xf32, #tpu.memory_space<hbm>>)
    %dma_wait3A_140 = arith.constant 78 : i32
    %dma_wait3A_141 = arith.constant 0 : i32
    %dma_wait3A_142 = tpu.memref_slice %arg11[%dma_wait3A_140, %dma_wait3A_141] : memref<80x128xi32, #tpu.memory_space<vmem>> -> memref<1x128xi32, #tpu.memory_space<vmem>>
    %dma_wait3A_143 = tpu.memref_squeeze %dma_wait3A_142 : memref<1x128xi32, #tpu.memory_space<vmem>> -> memref<128xi32, #tpu.memory_space<vmem>>
    %dma_wait3A_144 = arith.constant 0 : i32
    %dma_wait3A_145 = arith.constant 0 : i32
    %dma_wait3A_146 = tpu.memref_slice %arg9[%dma_wait3A_144, %dma_wait3A_145] : memref<327680x128xf32, #tpu.memory_space<hbm>> -> memref<327680x128xf32, #tpu.memory_space<hbm>>
    tpu.wait_indirect_dma semaphore(%arg27 : memref<!tpu.dma_semaphore, #tpu.memory_space<semaphore_mem>>) src(%arg15 : memref<128x128xf32, #tpu.memory_space<vmem>>) dst(%dma_wait3A_146 : memref<327680x128xf32, #tpu.memory_space<hbm>>)
    %dma_wait3A_147 = arith.constant 79 : i32
    %dma_wait3A_148 = arith.constant 0 : i32
    %dma_wait3A_149 = tpu.memref_slice %arg11[%dma_wait3A_147, %dma_wait3A_148] : memref<80x128xi32, #tpu.memory_space<vmem>> -> memref<1x128xi32, #tpu.memory_space<vmem>>
    %dma_wait3A_150 = tpu.memref_squeeze %dma_wait3A_149 : memref<1x128xi32, #tpu.memory_space<vmem>> -> memref<128xi32, #tpu.memory_space<vmem>>
    %dma_wait3A_151 = arith.constant 0 : i32
    %dma_wait3A_152 = arith.constant 0 : i32
    %dma_wait3A_153 = tpu.memref_slice %arg9[%dma_wait3A_151, %dma_wait3A_152] : memref<327680x128xf32, #tpu.memory_space<hbm>> -> memref<327680x128xf32, #tpu.memory_space<hbm>>
    tpu.wait_indirect_dma semaphore(%arg28 : memref<!tpu.dma_semaphore, #tpu.memory_space<semaphore_mem>>) src(%arg16 : memref<128x128xf32, #tpu.memory_space<vmem>>) dst(%dma_wait3A_153 : memref<327680x128xf32, #tpu.memory_space<hbm>>)
    %dma_wait3A_154 = arith.constant 74 : i32
    %dma_wait3A_155 = arith.constant 0 : i32
    %dma_wait3A_156 = tpu.memref_slice %arg11[%dma_wait3A_154, %dma_wait3A_155] : memref<80x128xi32, #tpu.memory_space<vmem>> -> memref<1x128xi32, #tpu.memory_space<vmem>>
    %dma_wait3A_157 = tpu.memref_squeeze %dma_wait3A_156 : memref<1x128xi32, #tpu.memory_space<vmem>> -> memref<128xi32, #tpu.memory_space<vmem>>
    %dma_wait3A_158 = arith.constant 0 : i32
    %dma_wait3A_159 = arith.constant 0 : i32
    %dma_wait3A_160 = tpu.memref_slice %arg9[%dma_wait3A_158, %dma_wait3A_159] : memref<327680x128xf32, #tpu.memory_space<hbm>> -> memref<327680x128xf32, #tpu.memory_space<hbm>>
    tpu.wait_indirect_dma semaphore(%arg29 : memref<!tpu.dma_semaphore, #tpu.memory_space<semaphore_mem>>) src(%arg17 : memref<128x128xf32, #tpu.memory_space<vmem>>) dst(%dma_wait3A_160 : memref<327680x128xf32, #tpu.memory_space<hbm>>)
    %dma_wait3A_161 = arith.constant 75 : i32
    %dma_wait3A_162 = arith.constant 0 : i32
    %dma_wait3A_163 = tpu.memref_slice %arg11[%dma_wait3A_161, %dma_wait3A_162] : memref<80x128xi32, #tpu.memory_space<vmem>> -> memref<1x128xi32, #tpu.memory_space<vmem>>
    %dma_wait3A_164 = tpu.memref_squeeze %dma_wait3A_163 : memref<1x128xi32, #tpu.memory_space<vmem>> -> memref<128xi32, #tpu.memory_space<vmem>>
    %dma_wait3A_165 = arith.constant 0 : i32
    %dma_wait3A_166 = arith.constant 0 : i32
    %dma_wait3A_167 = tpu.memref_slice %arg9[%dma_wait3A_165, %dma_wait3A_166] : memref<327680x128xf32, #tpu.memory_space<hbm>> -> memref<327680x128xf32, #tpu.memory_space<hbm>>
    tpu.wait_indirect_dma semaphore(%arg30 : memref<!tpu.dma_semaphore, #tpu.memory_space<semaphore_mem>>) src(%arg18 : memref<128x128xf32, #tpu.memory_space<vmem>>) dst(%dma_wait3A_167 : memref<327680x128xf32, #tpu.memory_space<hbm>>)
    return
  }
}

</mosaic_0001>

<sc_bundles>
// kernel: kernel.3.cloned.1.call-start
scs
__scs_entry_jumppad:
0x0: {  	(pc) =	sbr.rel $0x88, $3  }
0x1: {  	(tag) =	ssettag $0x0;
	lr =	simm.s32 $0x1  }
0x2: {  	[smem:$0x3F9C] =	sst lr;
	_ =	strace $0xD0000000  }
0x3: {  	_ = 	snop  }
0x4: {  	_ = 	snop  }
0x5: {  	_ = 	snop  }
0x6: {  	_ = 	snop  }
0x7: {  	_ = 	snop  }
__scs_overlays_trampoline_lowered:
0x8: {  	[smem:$0x3FAB] =	sst s0  }
0x9: {  	[smem:$0x3FAC] =	sst s1  }
0xa: {  	[smem:$0x3FAD] =	sst s2  }
0xb: {  	[smem:$0x3FAE] =	sst s3  }
0xc: {  	[smem:$0x3FAF] =	sst s4  }
0xd: {  	[smem:$0x3FB0] =	sst s5  }
0xe: {  	[smem:$0x3FB1] =	sst s6  }
0xf: {  	[smem:$0x3FB2] =	sst s7  }
0x10: {  	[smem:$0x3FB3] =	sst s8  }
0x11: {  	[smem:$0x3FB4] =	sst s9;
	s0 =	simm.s32 @!p0 $0x0  }
0x12: {  	s1 =	sld [smem:$0x3F9A];
	s0 =	simm.s32 @p0 $0x1  }
0x13: {  	[smem:$0x3FB5] =	sst s0;
	s0 =	simm.s32 @!p1 $0x0  }
0x14: {  	s2 =	sld [smem:$0x3F99];
	s0 =	simm.s32 @p1 $0x1  }
0x15: {  	[smem:$0x3FB6] =	sst s0;
	s0 =	simm.s32 @!p2 $0x0  }
0x16: {  	s3 =	sld [smem:$0x3FDB];
	s0 =	simm.s32 @p2 $0x1  }
0x17: {  	s4 =	simm.s32 $0x1BF5;
	[smem:$0x3FB8] =	sst s0  }
0x18: {  	s0 =	sld [smem:$0x3F9B];
	_ =	swait.ge [sflag:s4], $0x0  }
0x19: {  	s7 =	sld [smem:$0x3F9C]  }
0x1a: {  	s8 =	sadd.s32 $0xFFFFE003, lr  }
0x1b: {  	s9 =	sadd.s32 $0xFFFFFEF7, lr;
	s5 =	simm.s32 $0xFFFFFFFF;
	p2 =	slt.u32 s8, $0xFFFFF086  }
0x1c: {  	p1 =	slt.u32 s9, $0xF7A;
	s5 =	simm.s32 @!p2 $0x0  }
0x1d: {  	s5 =	simm.s32 @p1 $0x1;
	p0 =	seq.s32 s7, s2  }
0x1e: {  	s7 =	smul.u32 @!p0 $0xF7A, s2;
	p2 =	seq.s32 @!p0 s5, $0x0  }
0x1f: {  	s9 =	smul.u32 $0xF7A, s1;
	s8 =	simm.s32 @!p0 $0x1BF5;
	p2 =	por !p2, p0  }
0x20: {  	[sflag:s8] =	ssyncset.s32 @!p0 $0xFFFFF086;
	s6 =	sadd.s32 @!p0 s3, s7;
	s7 =	simm.s32 @!p0 $0x108  }
0x21: {  	s3 =	sadd.s32 s3, s9;
	s6 =	sadd.s32 @!p0 $0x88, s6;
	s7 =	simm.s32 @p2 $0x1082  }
0x22: {  	[simem:s7], [sflag:s8] =	dma.local @!p0 [hbm:s6], $0xF7A  }
0x23: {  	s9 =	sor.u32 $0xD0000000, s2;
	s6 =	simm.s32 $0x108;
	_ =	swait.ge @!p0 [sflag:s8], $0x0  }
0x24: {  	s3 =	sadd.s32 $0x88, s3;
	s6 =	simm.s32 @!p1 $0x1082;
	[sflag:s4] =	ssyncset.s32 $0xFFFFF086  }
0x25: {  	[simem:s6], [sflag:s4] =	dma.local [hbm:s3], $0xF7A  }
0x26: {  	[smem:$0x3F9C] =	sst s1;
	(tag) =	ssettag s2;
	_ =	strace s9  }
0x27: {  	s1 =	sld [smem:$0x3FAC]  }
0x28: {  	s2 =	sld [smem:$0x3FAD]  }
0x29: {  	s4 =	sld [smem:$0x3FAF]  }
0x2a: {  	p0 =	seq.s32 s5, $0x0;
	s5 =	sld [smem:$0x3FB0]  }
0x2b: {  	s6 =	sld [smem:$0x3FB1]  }
0x2c: {  	s7 =	sld [smem:$0x3FB2]  }
0x2d: {  	s3 =	simm.s32 $0x108;
	s8 =	sld [smem:$0x3FB3]  }
0x2e: {  	s3 =	simm.s32 @!p0 $0x1082;
	s9 =	sld [smem:$0x3FB4]  }
0x2f: {  	lr =	sadd.s32 s0, s3;
	s0 =	sld [smem:$0x3FAB]  }
0x30: {  	s3 =	sld [smem:$0x3FAE]  }
0x31: {  	[smem:$0x3FB7] =	sst s10  }
0x32: {  	s10 =	sld [smem:$0x3FB5];
	_ =	sdelay $0x3  }
0x33: {  	p0 =	seq.s32 s10, $0x1;
	s10 =	sld [smem:$0x3FB7];
	_ =	sdelay $0x3  }
0x34: {  	[smem:$0x3FB7] =	sst s10  }
0x35: {  	s10 =	sld [smem:$0x3FB6];
	_ =	sdelay $0x3  }
0x36: {  	p1 =	seq.s32 s10, $0x1;
	s10 =	sld [smem:$0x3FB7];
	_ =	sdelay $0x3  }
0x37: {  	[smem:$0x3FB7] =	sst s10  }
0x38: {  	s10 =	sld [smem:$0x3FB8]  }
0x39: {  	_ = 	snop;
	(pc) =	sbr.ind lr, $3  }
0x3a: {  	_ = 	snop  }
0x3b: {  	_ = 	snop  }
0x3c: {  	p2 =	seq.s32 s10, $0x1;
	s10 =	sld [smem:$0x3FB7]  }
0x3d: {  	_ =	shalt  }
0x3e: {  	_ =	shalt  }
0x3f: {  	_ =	shalt  }
0x40: {  	_ =	shalt  }
0x41: {  	_ =	shalt  }
0x42: {  	_ =	shalt  }
0x43: {  	_ =	shalt  }
0x44: {  	_ =	shalt  }
0x45: {  	_ =	shalt  }
0x46: {  	_ =	shalt  }
0x47: {  	_ =	shalt  }
0x48: {  	_ =	shalt  }
0x49: {  	_ =	shalt  }
0x4a: {  	_ =	shalt  }
0x4b: {  	_ =	shalt  }
0x4c: {  	_ =	shalt  }
0x4d: {  	_ =	shalt  }
0x4e: {  	_ =	shalt  }
0x4f: {  	_ =	shalt  }
0x50: {  	_ =	shalt  }
0x51: {  	_ =	shalt  }
0x52: {  	_ =	shalt  }
0x53: {  	_ =	shalt  }
0x54: {  	_ =	shalt  }
0x55: {  	_ =	shalt  }
0x56: {  	_ =	shalt  }
0x57: {  	_ =	shalt  }
0x58: {  	_ =	shalt  }
0x59: {  	_ =	shalt  }
0x5a: {  	_ =	shalt  }
0x5b: {  	_ =	shalt  }
0x5c: {  	_ =	shalt  }
0x5d: {  	_ =	shalt  }
0x5e: {  	_ =	shalt  }
0x5f: {  	_ =	shalt  }
0x60: {  	_ =	shalt  }
0x61: {  	_ =	shalt  }
0x62: {  	_ =	shalt  }
0x63: {  	_ =	shalt  }
0x64: {  	_ =	shalt  }
0x65: {  	_ =	shalt  }
0x66: {  	_ =	shalt  }
0x67: {  	_ =	shalt  }
0x68: {  	_ =	shalt  }
0x69: {  	_ =	shalt  }
0x6a: {  	_ =	shalt  }
0x6b: {  	_ =	shalt  }
0x6c: {  	_ =	shalt  }
0x6d: {  	_ =	shalt  }
0x6e: {  	_ =	shalt  }
0x6f: {  	_ =	shalt  }
0x70: {  	_ =	shalt  }
0x71: {  	_ =	shalt  }
0x72: {  	_ =	shalt  }
0x73: {  	_ =	shalt  }
0x74: {  	_ =	shalt  }
0x75: {  	_ =	shalt  }
0x76: {  	_ =	shalt  }
0x77: {  	_ =	shalt  }
0x78: {  	_ =	shalt  }
0x79: {  	_ =	shalt  }
0x7a: {  	_ =	shalt  }
0x7b: {  	_ =	shalt  }
0x7c: {  	_ =	shalt  }
0x7d: {  	_ =	shalt  }
0x7e: {  	_ =	shalt  }
0x7f: {  	_ =	shalt  }
0x80: {  	_ =	shalt  }
0x81: {  	_ =	shalt  }
0x82: {  	_ =	shalt  }
0x83: {  	_ =	shalt  }
0x84: {  	_ =	shalt  }
0x85: {  	_ =	shalt  }
0x86: {  	_ =	shalt  }
0x87: {  	_ =	shalt  }
.Lfunc_end0:
.L_simem_size_0:
called_computation_lowered:
.L_overlay_start_0:
0x88: {  	s2 =	sld [smem:$0x3FD9]  }
0x89: {  	s3 =	sld [smem:$0x3FFE];
	_ =	sdelay $0x1  }
0x8a: {  	s1 =	srdreg.scid  }
0x8b: {  	s0 =	sand.u32 $0x1, s1  }
0x8c: {  	s15 =	sshll.u32 s0, $0xA;
	s2 =	sadd.s32 s3, s2  }
0x8d: {  	s2 =	sadd.s32 s2, s15  }
0x8e: {  	[smem:$0x3FC3] =	sst s2  }
0x8f: {  	_ = 	snop  }
0x90: {  	s2 =	sld [smem:$0x3FC9]  }
0x91: {  	s16 =	sld [smem:$0x3FC8]  }
0x92: {  	s4 =	sld [smem:$0x3FD0]  }
0x93: {  	s5 =	sld [smem:$0x3FC7]  }
0x94: {  	s6 =	sld [smem:$0x3FC6]  }
0x95: {  	s8 =	simm.s32 $0xA;
	s9 =	simm.s32 $0x10;
	s7 =	sld [smem:$0x3FC5]  }
0x96: {  	[smem:s9], [sflag:s8] =	dma.local [hbm:s4], $0x1  }
0x97: {  	_ =	swait.eq [sflag:s8], $0x1  }
0x98: {  	s17 =	sld [smem:$0x10];
	[sflag:s8] =	ssyncset.done $0x0  }
0x99: {  	s18 =	sld [smem:$0x11];
	[sflag:s8] =	ssyncadd.s32 $0xFFFFFFFF  }
0x9a: {  	s19 =	sld [smem:$0x12];
	(tm) =	ssettm $0x1  }
0x9b: {  	s10 =	sld [smem:$0x3FFB];
	_ =	sdelay $0x3  }
0x9c: {  	_ =	strace s10  }
0x9d: {  	s10 =	sld [smem:$0x3FFC];
	_ =	sdelay $0x3  }
0x9e: {  	_ =	strace s10  }
0x9f: {  	s10 =	sld [smem:$0x3FFD];
	_ =	sdelay $0x3  }
0xa0: {  	_ =	strace s10  }
0xa1: {  	_ =	strace $0x8FFFFFFF  }
0xa2: {  	s20 =	sld [smem:$0x3FDB];
	_ =	sdelay $0x1  }
0xa3: {  	s11 =	simm.s32 $_scs_section_size  }
0xa4: {  	s12 =	simm.s32 $_size__tile_overlayer_lowered;
	s13 =	simm.s32 $_tile_overlayer_lowered  }
0xa5: {  	s23 =	simm.s32 $0x1BFF;
	s22 =	sshll.u32 s13, $0x1;
	s10 =	sadd.s32 s11, s20  }
0xa6: {  	s14 =	simm.s32 $0x0;
	s21 =	sshll.u32 s12, $0x1;
	s12 =	sadd.s32 s22, s10  }
0xa7: {  	[timem:s14], [sflag:s23] =	dma.local [hbm:s12], s21  }
0xa8: {  	_ =	swait.ge [sflag:s23], s21  }
0xa9: {  	s11 =	ssub.s32 $0x0, s21;
	[sflag:s23] =	ssyncset.done $0x0  }
0xaa: {  	[sflag:s23] =	ssyncadd.s32 s11;
	_ =	sdelay $0x1  }
0xab: {  	s24 =	simm.s32 $0x1B8B  }
0xac: {  	_ =	swait.ge [sflag:s24], $0x1  }
0xad: {  	[sflag:s24] =	ssyncset.done $0x0  }
0xae: {  	s25 =	simm.s32 $0x1B8E;
	[sflag:s24] =	ssyncadd.s32 $0xFFFFFFFF  }
0xaf: {  	s26 =	simm.s32 $execute0_lowered;
	[smem:$0x3FD2] =	sst s25  }
0xb0: {  	s11 =	sshll.u32 s26, $0x1;
	_ =	strace $0x80000046;
	[dreg:$0x1] =	wrdreg $0xFFFFFFFF  }
0xb1: {  	s28 =	simm.s32 $_size_execute0_lowered;
	s10 =	sadd.s32 s10, s11;
	[dreg:$0x0] =	wrdreg $0x0  }
0xb2: {  	s11 =	sshll.u32 s28, $0x1;
	[dreg:$0x2] =	wrdreg s10  }
0xb3: {  	[dreg:$0x3] =	wrdreg s11  }
0xb4: {  	[dreg:$0x4] =	wrdreg $0xC0  }
0xb5: {  	_ =	task [dreg:s14], $0x5FFFF  }
0xb6: {  	[dreg:$0x1] =	wrdreg $0xFFFFFFFF  }
0xb7: {  	[dreg:$0x0] =	wrdreg $0x60  }
0xb8: {  	[dreg:$0x2] =	wrdreg s2  }
0xb9: {  	[dreg:$0x3] =	wrdreg s16  }
0xba: {  	[dreg:$0x4] =	wrdreg s5  }
0xbb: {  	[dreg:$0x5] =	wrdreg s6  }
0xbc: {  	[dreg:$0x6] =	wrdreg s7  }
0xbd: {  	[dreg:$0x7] =	wrdreg s17  }
0xbe: {  	[dreg:$0x8] =	wrdreg s18  }
0xbf: {  	[dreg:$0x9] =	wrdreg s19  }
0xc0: {  	[dreg:$0xa] =	wrdreg $0x9  }
0xc1: {  	_ =	task.clear_ibuf [dreg:s14], $0xBFFFF;
	_ =	strace $0x90000046  }
0xc2: {  	s29 =	simm.s32 $0x9;
	_ =	strace $0x80000048  }
0xc3: {  	_ =	swait.ge [sflag:s29], $0x1  }
0xc4: {  	[sflag:s29] =	ssyncadd.s32 $0xFFFFFFFF  }
0xc5: {  	_ =	strace $0x90000048  }
0xc6: {  	_ =	sfence  }
0xc7: {  	s30 =	sld [smem:$0x0];
	_ =	sdelay $0x2  }
0xc8: {  	s31 =	sshll.u32 s1, $0xD;
	s1 =	sshrl.u32 s1, $0x2  }
0xc9: {  	s3 =	sand.u32 $0x4000, s31;
	s1 =	sadd.s32 s1, s30  }
0xca: {  	s0 =	sor.u32 s3, s0;
	s1 =	sshll.u32 s1, $0x11  }
0xcb: {  	s0 =	sor.u32 s1, s0  }
0xcc: {  	s0 =	sadd.s32 $0x8F2B, s0  }
0xcd: {  	[sflag:s0] =	ssyncadd.remote.s32 $0x1  }
0xce: {  	_ =	sfence.sel $0xFFFF  }
0xcf: {  	[dreg:$0x0] =	wrdreg $0xFFFFFFFF;
	(pc) =	sbr.abs _section_cstart, $3  }
0xd0: {  	[dreg:$0x1] =	wrdreg $0xFFFFFFFF  }
0xd1: {  	_ =	task.clear_ibuf [dreg:s14], $0x2FFFF;
	_ =	strace $0x9FFFFFFF  }
0xd2: {  	(tm) =	ssettm $0x7FFFFFFF  }
0xd3: {  	_ =	shalt  }
tec
execute0_lowered:
.L_overlay_start_1:
0x0: {  	(tag) =	ssettag $0x1  }
0x1: {  	s0 =	rddreg [dreg:$0x0]  }
0x2: {  	s1 =	rddreg [dreg:$0x1]  }
0x3: {  	s3 =	rddreg [dreg:$0x2]  }
0x4: {  	s2 =	rddreg [dreg:$0x4]  }
0x5: {  	s5 =	rddreg [dreg:$0x5]  }
0x6: {  	s6 =	rddreg [dreg:$0x6];
	s7 =	srdreg.scid  }
0x7: {  	s15 =	stileid.u32;
	s4 =	rddreg [dreg:$0x7];
	s9 =	simm.s32 $0x0  }
0x8: {  	s21 =	simm.s32 $0x80;
	s22 =	simm.s32 $0x5400;
	s30 =	simm.s32 $0x15400  }
0x9: {  	s31 =	simm.s32 $0x2;
	s18 =	simm.s32 $0x9;
	s20 =	simm.s32 $0x4  }
0xa: {  	s16 =	simm.s32 $0xA;
	s17 =	simm.s32 $0x5;
	s19 =	simm.s32 $0xC  }
0xb: {  	s7 =	sand.u32 $0x1, s7;
	s8 =	sshll.u32 s15, $0x1;
	[smem:$0x7FF] =	sst s9  }
0xc: {  	s25 =	sshll.u32 s15, $0xE;
	s8 =	sor.u32 s7, s8;
	s10 =	ssub.s32 $0x2, s7  }
0xd: {  	s12 =	sshll.u32 s7, $0x9;
	_ =	strace $0x80000047;
	s28 =	sshll.u32 s7, $0xD  }
0xe: {  	s9 =	sshll.u32 s8, $0x9;
	s13 =	sshrl.u32 s10, $0x1;
	s14 =	smul.u32 $0x500, s8  }
0xf: {  	s23 =	sshll.u32 s8, $0xD;
	s8 =	simm.s32 $0x3;
	s11 =	sand.u32 $0x3C00, s9  }
0x10: {  	s10 =	ssub.s32 s10, s13;
	s24 =	sadd.s32 s6, s23;
	s5 =	sadd.s32 s5, s23  }
0x11: {  	s23 =	simm.s32 $0x1;
	s11 =	sor.u32 s12, s11;
	[dreg:$0xd] =	wrdreg s5  }
0x12: {  	s3 =	sadd.s32 s3, s14;
	s26 =	sadd.s32 $0x1000, s5;
	[dreg:$0xc] =	wrdreg s24  }
0x13: {  	s14 =	sadd.s32 $0x1800, s5;
	s15 =	sadd.s32 $0x800, s24;
	[dreg:$0x9] =	wrdreg s3  }
0x14: {  	s29 =	smax.u32 s10, $0x1;
	s10 =	simm.s32 $0x5000;
	[dreg:$0xf] =	wrdreg s26  }
0x15: {  	s12 =	simm.s32 $0x5200;
	s11 =	sshrl.u32 s11, $0x3;
	[dreg:$0x10] =	wrdreg s29  }
0x16: {  	s26 =	simm.s32 $0xD400;
	s0 =	sadd.s32 s0, s11;
	s1 =	sadd.s32 s1, s11  }
0x17: {  	s11 =	sadd.s32 $0x1800, s24;
	[dreg:$0xa] =	wrdreg s0;
	s0 =	sadd.s32 $0x800, s5  }
0x18: {  	s24 =	simm.s32 $0x9400;
	[dreg:$0xe] =	wrdreg s0;
	s0 =	sadd.s32 s25, s6  }
0x19: {  	[dreg:$0xb] =	wrdreg s1;
	s1 =	simm.s32 $0xB;
	s0 =	sadd.s32 s28, s0  }
0x1a: {  	s5 =	simm.s32 $0x0;
	s25 =	simm.s32 $0x7;
	s0 =	sadd.s32 $0xFFFFE000, s0  }
0x1b: {  	v1 =	vimm.s32 $0x0;
	v0 =	vmov s9;
	s6 =	simm.s32 $0x8;
	[dreg:$0x11] =	wrdreg s0;
	s0 =	simm.s32 $0x6  }
.LBB2_1:
0x1c: {  	v2 =	vlaneseq.u32  }
0x1d: {  	v3 =	vadd.s32 $0x10, v2  }
0x1e: {  	v4 =	vadd.s32 $0xFFFFFFFC, v2;
	vm0 =	vgt.s32 v3, $0x13  }
0x1f: {  	v3 =	vsel vm0, v4, v3  }
0x20: {  	v4 =	vadd.s32 $0x10, v3  }
0x21: {  	[dreg:$0x12] =	wrdreg s5;
	v5 =	vadd.s32 $0xFFFFFFFC, v3;
	vm1 =	vgt.s32 v4, $0x13  }
0x22: {  	s3 =	simm.s32 $0x0;
	s7 =	rddreg [dreg:$0x9];
	v2 =	vshll.u32 v2, $0xE;
	v6 =	vsel vm0, $0x1, v1;
	v4 =	vsel vm1, v5, v4  }
0x23: {  	[tilespmem:s3], [sflag:$0xD] =	stream.linear.gather [hbm4b:s7+s3], $0x2800, $0x38;
	v3 =	vshll.u32 v3, $0xE;
	v5 =	vadd.s32 v6, v0;
	v6 =	vadd.s32 $0x10, v4;
	[tilespmem:$0x1D400] =	vst v63  }
0x24: {  	s9 =	rddreg [dreg:$0xa];
	s7 =	simm.s32 $0xE;
	v7 =	vsel vm1, $0x1, v1;
	v8 =	vadd.s32 $0xFFFFFFFC, v4;
	vm10 =	vgt.s32 v6, $0x13  }
0x25: {  	[tilespmem:s10], [sflag:$0xE] =	stream.linear.gather [hbm4b:s9+s3], $0x200, $0x38;
	v7 =	vadd.s32 v7, v5;
	v4 =	vshll.u32 v4, $0xE;
	v6 =	vsel vm10, v8, v6;
	[tilespmem:$0x1D400] =	vst v63  }
0x26: {  	_ =	swait.ge [sflag:s7], $0x200;
	v3 =	vadd.s32 v5, v3;
	v4 =	vadd.s32 v7, v4;
	v5 =	vadd.s32 $0x10, v6  }
0x27: {  	[sflag:s7] =	ssyncset.done $0x0;
	v59 =	vsel vm10, $0x1, v1;
	v9 =	vadd.s32 $0xFFFFFFFC, v6;
	vm11 =	vgt.s32 v5, $0x13  }
0x28: {  	s13 =	rddreg [dreg:$0xb];
	[sflag:s7] =	ssyncadd.s32 $0xFFFFFE00;
	v7 =	vadd.s32 v59, v7;
	v6 =	vshll.u32 v6, $0xE;
	v5 =	vsel vm11, v9, v5  }
0x29: {  	v2 =	vadd.s32 v0, v2;
	[tilespmem:s12], [sflag:$0xE] =	stream.linear.gather [hbm4b:s13+s3], $0x200, $0x38;
	v6 =	vadd.s32 v7, v6;
	v9 =	vadd.s32 $0x10, v5;
	[tilespmem:$0x1D400] =	vst v63  }
0x2a: {  	_ =	swait.ge [sflag:s7], $0x200;
	v60 =	vsel vm11, $0x1, v1;
	v61 =	vadd.s32 $0xFFFFFFFC, v5;
	vm12 =	vgt.s32 v9, $0x13  }
0x2b: {  	[sflag:s7] =	ssyncset.done $0x0;
	v7 =	vadd.s32 v60, v7;
	v5 =	vshll.u32 v5, $0xE;
	v8 =	vsel vm12, v61, v9  }
0x2c: {  	s29 =	simm.s32 $0x0;
	[sflag:s7] =	ssyncadd.s32 $0xFFFFFE00;
	v5 =	vadd.s32 v7, v5;
	v62 =	vsel vm12, $0x1, v1;
	v10 =	vadd.s32 $0x10, v8  }
0x2d: {  	[tilespmem:s29+$0x2800] =	vst v2;
	v2 =	vadd.s32 v62, v7;
	v7 =	vadd.s32 $0xFFFFFFFC, v8;
	vm13 =	vgt.s32 v10, $0x13  }
0x2e: {  	[tilespmem:s29+$0x2810] =	vst v3;
	v3 =	vsel vm13, v7, v10;
	v7 =	vshll.u32 v8, $0xE;
	v63 =	vsel vm13, $0x1, v1  }
0x2f: {  	[tilespmem:s29+$0x2820] =	vst v4;
	v4 =	vadd.s32 v2, v7;
	v2 =	vadd.s32 v63, v2;
	v7 =	vadd.s32 $0x10, v3  }
0x30: {  	[tilespmem:s29+$0x2830] =	vst v6;
	v6 =	vshll.u32 v3, $0xE;
	v3 =	vadd.s32 $0xFFFFFFFC, v3;
	vm14 =	vgt.s32 v7, $0x13  }
0x31: {  	[tilespmem:s29+$0x2840] =	vst v5;
	v5 =	vadd.s32 v2, v6;
	v3 =	vsel vm14, v3, v7;
	v6 =	vsel vm14, $0x1, v1  }
0x32: {  	[tilespmem:s29+$0x2850] =	vst v4;
	v2 =	vadd.s32 v6, v2;
	v4 =	vshll.u32 v3, $0xE;
	v6 =	vadd.s32 $0x10, v3  }
0x33: {  	[tilespmem:s29+$0x2860] =	vst v5;
	v3 =	vadd.s32 $0xFFFFFFFC, v3;
	v4 =	vadd.s32 v2, v4;
	vm15 =	vgt.s32 v6, $0x13  }
0x34: {  	s28 =	simm.s32 $0x200;
	s5 =	simm.s32 $0x400;
	[tilespmem:s29+$0x2870] =	vst v4;
	v3 =	vsel vm15, v3, v6;
	v4 =	vsel vm15, $0x1, v1  }
.LBB2_2:
0x35: {  	p0 =	sne.s32 s5, $0x9E00;
	v5 =	vshll.u32 v3, $0xE;
	v6 =	vadd.s32 $0x10, v3;
	v2 =	vadd.s32 v4, v2  }
0x36: {  	s7 =	sshra.s32 s28, $0x2;
	v3 =	vadd.s32 $0xFFFFFFFC, v3;
	s28 =	smov.u32 s5;
	v4 =	vadd.s32 v2, v5;
	vm0 =	vgt.s32 v6, $0x13  }
0x37: {  	[tilespmem:s7+$0x2800] =	vst v4;
	v3 =	vsel vm0, v3, v6;
	v4 =	vsel vm0, $0x1, v1  }
0x38: {  	v2 =	vadd.s32 v4, v2;
	v4 =	vshll.u32 v3, $0xE;
	v5 =	vadd.s32 $0x10, v3  }
0x39: {  	v3 =	vadd.s32 $0xFFFFFFFC, v3;
	v4 =	vadd.s32 v2, v4;
	vm0 =	vgt.s32 v5, $0x13  }
0x3a: {  	[tilespmem:s7+$0x2810] =	vst v4;
	v3 =	vsel vm0, v3, v5;
	v4 =	vsel vm0, $0x1, v1  }
0x3b: {  	v2 =	vadd.s32 v4, v2;
	v4 =	vshll.u32 v3, $0xE;
	v5 =	vadd.s32 $0x10, v3  }
0x3c: {  	v3 =	vadd.s32 $0xFFFFFFFC, v3;
	v4 =	vadd.s32 v2, v4;
	vm0 =	vgt.s32 v5, $0x13  }
0x3d: {  	[tilespmem:s7+$0x2820] =	vst v4;
	v3 =	vsel vm0, v3, v5;
	v4 =	vsel vm0, $0x1, v1  }
0x3e: {  	v2 =	vadd.s32 v4, v2;
	v4 =	vshll.u32 v3, $0xE;
	v5 =	vadd.s32 $0x10, v3  }
0x3f: {  	v3 =	vadd.s32 $0xFFFFFFFC, v3;
	v4 =	vadd.s32 v2, v4;
	vm0 =	vgt.s32 v5, $0x13  }
0x40: {  	[tilespmem:s7+$0x2830] =	vst v4;
	v3 =	vsel vm0, v3, v5;
	v4 =	vsel vm0, $0x1, v1  }
0x41: {  	v2 =	vadd.s32 v4, v2;
	v4 =	vshll.u32 v3, $0xE;
	v5 =	vadd.s32 $0x10, v3  }
0x42: {  	v3 =	vadd.s32 $0xFFFFFFFC, v3;
	v4 =	vadd.s32 v2, v4;
	vm0 =	vgt.s32 v5, $0x13  }
0x43: {  	[tilespmem:s7+$0x2840] =	vst v4;
	v3 =	vsel vm0, v3, v5;
	v4 =	vsel vm0, $0x1, v1  }
0x44: {  	v2 =	vadd.s32 v4, v2;
	v4 =	vshll.u32 v3, $0xE;
	v5 =	vadd.s32 $0x10, v3  }
0x45: {  	v3 =	vadd.s32 $0xFFFFFFFC, v3;
	v4 =	vadd.s32 v2, v4;
	vm0 =	vgt.s32 v5, $0x13  }
0x46: {  	[tilespmem:s7+$0x2850] =	vst v4;
	v3 =	vsel vm0, v3, v5;
	v4 =	vsel vm0, $0x1, v1  }
0x47: {  	v2 =	vadd.s32 v4, v2;
	v4 =	vshll.u32 v3, $0xE;
	v5 =	vadd.s32 $0x10, v3  }
.Ltmp0:
0x48: {  	v3 =	vadd.s32 $0xFFFFFFFC, v3;
	v4 =	vadd.s32 v2, v4;
	vm0 =	vgt.s32 v5, $0x13;
	(pc) =	sbr.rel @p0 .LBB2_2-.Ltmp0, $4  }
0x49: {  	[tilespmem:s7+$0x2860] =	vst v4;
	v3 =	vsel vm0, v3, v5;
	v4 =	vsel vm0, $0x1, v1  }
0x4a: {  	v2 =	vadd.s32 v4, v2;
	v4 =	vshll.u32 v3, $0xE;
	v5 =	vadd.s32 $0x10, v3  }
0x4b: {  	v3 =	vadd.s32 $0xFFFFFFFC, v3;
	v4 =	vadd.s32 v2, v4;
	vm0 =	vgt.s32 v5, $0x13  }
0x4c: {  	s5 =	sadd.s32 $0x200, s5;
	[tilespmem:s7+$0x2870] =	vst v4;
	v3 =	vsel vm0, v3, v5;
	v4 =	vsel vm0, $0x1, v1  }
0x4d: {  	v5 =	vadd.s32 $0x10, v3  }
0x4e: {  	v6 =	vadd.s32 $0xFFFFFFFC, v3;
	vm0 =	vgt.s32 v5, $0x13  }
0x4f: {  	v5 =	vsel vm0, v6, v5  }
0x50: {  	v6 =	vadd.s32 $0x10, v5  }
0x51: {  	v7 =	vadd.s32 $0xFFFFFFFC, v5;
	vm1 =	vgt.s32 v6, $0x13  }
0x52: {  	v3 =	vshll.u32 v3, $0xE;
	v2 =	vadd.s32 v4, v2;
	v47 =	vsel vm1, v7, v6  }
0x53: {  	v3 =	vadd.s32 v2, v3;
	v48 =	vsel vm0, $0x1, v1;
	v7 =	vadd.s32 $0x10, v47  }
0x54: {  	v2 =	vadd.s32 v48, v2;
	v9 =	vadd.s32 $0xFFFFFFFC, v47;
	vm11 =	vgt.s32 v7, $0x13  }
0x55: {  	v5 =	vshll.u32 v5, $0xE;
	v8 =	vsel vm1, $0x1, v1;
	v49 =	vsel vm11, v9, v7  }
0x56: {  	v50 =	vadd.s32 v8, v2;
	v4 =	vshll.u32 v47, $0xE;
	v51 =	vadd.s32 $0x10, v49  }
0x57: {  	v2 =	vadd.s32 v2, v5;
	v10 =	vadd.s32 $0xFFFFFFFC, v49;
	vm12 =	vgt.s32 v51, $0x13  }
0x58: {  	v4 =	vadd.s32 v50, v4;
	v52 =	vsel vm11, $0x1, v1;
	v53 =	vsel vm12, v10, v51  }
0x59: {  	v7 =	vadd.s32 v52, v50;
	v6 =	vshll.u32 v49, $0xE;
	v8 =	vadd.s32 $0x10, v53  }
0x5a: {  	v54 =	vsel vm12, $0x1, v1;
	v10 =	vadd.s32 $0xFFFFFFFC, v53;
	vm13 =	vgt.s32 v8, $0x13  }
0x5b: {  	v9 =	vadd.s32 v54, v7;
	v5 =	vshll.u32 v53, $0xE;
	v8 =	vsel vm13, v10, v8  }
0x5c: {  	s5 =	sshra.s32 s28, $0x2;
	v6 =	vadd.s32 v7, v6;
	v5 =	vadd.s32 v9, v5;
	v55 =	vadd.s32 $0x10, v8  }
0x5d: {  	[tilespmem:s5+$0x2800] =	vst v3;
	v3 =	vsel vm13, $0x1, v1;
	v10 =	vadd.s32 $0xFFFFFFFC, v8;
	vm14 =	vgt.s32 v55, $0x13  }
0x5e: {  	[tilespmem:s5+$0x2810] =	vst v2;
	v2 =	vadd.s32 v3, v9;
	v56 =	vshll.u32 v8, $0xE;
	v3 =	vsel vm14, v10, v55  }
0x5f: {  	[tilespmem:s5+$0x2820] =	vst v4;
	v57 =	vadd.s32 v2, v56;
	v58 =	vsel vm14, $0x1, v1;
	v59 =	vadd.s32 $0x10, v3  }
0x60: {  	[tilespmem:s5+$0x2830] =	vst v6;
	v2 =	vadd.s32 v58, v2;
	v60 =	vadd.s32 $0xFFFFFFFC, v3;
	vm15 =	vgt.s32 v59, $0x13  }
0x61: {  	[tilespmem:s5+$0x2840] =	vst v5;
	v3 =	vshll.u32 v3, $0xE;
	v61 =	vsel vm15, v60, v59;
	v62 =	vsel vm15, $0x1, v1  }
0x62: {  	[tilespmem:s5+$0x2850] =	vst v57;
	v3 =	vadd.s32 v2, v3;
	v2 =	vadd.s32 v62, v2;
	v63 =	vshll.u32 v61, $0xE  }
0x63: {  	[tilespmem:s5+$0x2860] =	vst v3;
	v2 =	vadd.s32 v2, v63  }
0x64: {  	s3 =	rddreg [dreg:$0x3];
	[tilespmem:s5+$0x2870] =	vst v2  }
0x65: {  	[tilespmem:s22], [sflag:$0x1] =	stream.indirect.gather [hbm4b:s3+s21], $0x80, s10, s21, $0xb8;
	[tilespmem:$0x1D400] =	vst v63  }
0x66: {  	s7 =	simm.s32 $0x5080  }
0x67: {  	[tilespmem:s24], [sflag:$0x2] =	stream.indirect.gather [hbm4b:s3+s21], $0x80, s7, s21, $0xb8;
	[tilespmem:$0x1D400] =	vst v63  }
0x68: {  	s9 =	simm.s32 $0x5100  }
0x69: {  	[tilespmem:s26], [sflag:$0x3] =	stream.indirect.gather [hbm4b:s3+s21], $0x80, s9, s21, $0xb8;
	[tilespmem:$0x1D400] =	vst v63  }
0x6a: {  	s10 =	simm.s32 $0x5180;
	s7 =	simm.s32 $0x11400  }
0x6b: {  	[tilespmem:s7], [sflag:$0x4] =	stream.indirect.gather [hbm4b:s3+s21], $0x80, s10, s21, $0xb8;
	[tilespmem:$0x1D400] =	vst v63  }
0x6c: {  	s13 =	simm.s32 $0x5280  }
0x6d: {  	[tilespmem:s30], [sflag:$0x5] =	stream.indirect.gather [hbm4b:s2+s21], $0x80, s12, s21, $0xb8;
	[tilespmem:$0x1D400] =	vst v63  }
.Ltmp1:
0x6e: {  	s28 =	simm.s32 $0x19400;
	s29 =	simm.s32 $0xD;
	(pc) =	sbr.rel .LBB2_4-.Ltmp1, $4  }
0x6f: {  	[tilespmem:s28], [sflag:$0x6] =	stream.indirect.gather [hbm4b:s2+s21], $0x80, s13, s21, $0xb8;
	[tilespmem:$0x1D400] =	vst v63  }
0x70: {  	_ =	swait.ge [sflag:s29], $0x2800  }
0x71: {  	s9 =	simm.s32 $0x0;
	s7 =	simm.s32 $0x0;
	[sflag:s29] =	ssyncset.done $0x0  }
0x72: {  	s12 =	simm.s32 $0x0;
	s5 =	rddreg [dreg:$0x11];
	[sflag:s29] =	ssyncadd.s32 $0xFFFFD800  }
.LBB2_7:
0x73: {  	s3 =	simm.s32 $0x0;
	s13 =	rddreg [dreg:$0xc]  }
0x74: {  	[hbm4b:s13+s3] =	stream.linear.scatter [tilespmem:s30], [sflag:$0xB], $0x4000, $0x38;
	[tilespmem:$0x1D400] =	vst v63  }
.LBB2_9:
0x75: {  	_ =	swait.ge [sflag:s1], $0x4000  }
0x76: {  	[sflag:s1] =	ssyncset.done $0x0  }
0x77: {  	s3 =	sadd.s32 $0x100, s10;
	[sflag:s1] =	ssyncadd.s32 $0xFFFFC000  }
0x78: {  	[tilespmem:s30], [sflag:$0x5] =	stream.indirect.gather [hbm4b:s2+s21], $0x80, s3, s21, $0xb8;
	[tilespmem:$0x1D400] =	vst v63  }
0x79: {  	_ =	swait.ge [sflag:s0], $0x4000  }
0x7a: {  	s13 =	simm.s32 @p0 $0x80;
	[sflag:s0] =	ssyncset.done $0x0  }
0x7b: {  	s3 =	sadd.s32 @p0 $0x2680, s28;
	s28 =	simm.s32 @p0 $0x19400;
	[sflag:s0] =	ssyncadd.s32 $0xFFFFC000  }
0x7c: {  	[hbm4b:s4+s13] =	stream.indirect.scatter @p0 [tilespmem:s28], [sflag:$0xC], $0x80, s3, s13, $0xb8;
	[tilespmem:$0x1D400] =	vst v63  }
0x7d: {  	s3 =	simm.s32 @!p0 $0x0;
	s13 =	simm.s32 @!p0 $0x19400  }
0x7e: {  	[hbm4b:s15+s3] =	stream.linear.scatter @!p0 [tilespmem:s13], [sflag:$0xC], $0x4000, $0x38;
	[tilespmem:$0x1D400] =	vst v63  }
0x7f: {  	s29 =	simm.s32 $0x19400;
	s9 =	sadd.s32 $0x1, s9;
	_ =	swait.ge [sflag:s19], $0x4000  }
0x80: {  	s12 =	sadd.s32 $0xC00, s12;
	s5 =	sadd.s32 $0x3000, s5;
	[sflag:s19] =	ssyncset.done $0x0  }
0x81: {  	s7 =	sadd.s32 $0x6, s7;
	s28 =	sadd.s32 $0x180, s10;
	[sflag:s19] =	ssyncadd.s32 $0xFFFFC000  }
0x82: {  	[tilespmem:s29], [sflag:$0x6] =	stream.indirect.gather [hbm4b:s2+s21], $0x80, s28, s21, $0xb8;
	[tilespmem:$0x1D400] =	vst v63  }
.LBB2_4:
0x83: {  	p0 =	seq.s32 s9, $0x0  }
.Ltmp2:
0x84: {  	_ = 	snop;
	(pc) =	sbr.rel @p0 .LBB2_12-.Ltmp2, $4  }
0x85: {  	_ = 	snop  }
0x86: {  	_ =	swait.ge [sflag:s23], $0x4000  }
0x87: {  	[sflag:s23] =	ssyncset.done $0x0  }
0x88: {  	[sflag:s23] =	ssyncadd.s32 $0xFFFFC000  }
0x89: {  	s10 =	sand.u32 $0x7C, s7  }
0x8a: {  	p0 =	sne.s32 s10, $0x4  }
0x8b: {  	s10 =	simm.s32 @!p0 $0x0;
	s28 =	simm.s32 @!p0 $0x5400  }
0x8c: {  	[hbm4b:s5+s10] =	stream.linear.scatter @!p0 [tilespmem:s28], [sflag:$0x7], $0x4000, $0x38;
	[tilespmem:$0x1D400] =	vst v63  }
0x8d: {  	p0 =	seq.s32 s9, $0x1  }
0x8e: {  	s10 =	sshra.s32 @!p0 s12, $0x2  }
0x8f: {  	s13 =	simm.s32 @!p0 $0x80;
	s28 =	simm.s32 @!p0 $0x5400;
	s10 =	sadd.s32 @!p0 $0x2400, s10  }
0x90: {  	[hbm4b:s4+s13] =	stream.indirect.scatter @!p0 [tilespmem:s28], [sflag:$0x7], $0x80, s10, s13, $0xb8;
	[tilespmem:$0x1D400] =	vst v63  }
0x91: {  	s28 =	smov.u32 s12  }
0x92: {  	s28 =	simm.s32 @p0 $0xC00;
	_ =	swait.ge [sflag:s25], $0x4000  }
0x93: {  	[sflag:s25] =	ssyncset.done $0x0;
	s3 =	sshra.s32 s28, $0x2  }
0x94: {  	[sflag:s25] =	ssyncadd.s32 $0xFFFFC000;
	s10 =	sadd.s32 $0xFFFFFF00, s3  }
0x95: {  	[tilespmem:s22], [sflag:$0x1] =	stream.indirect.gather [hbm4b:s2+s21], $0x80, s10, s21, $0xb8;
	[tilespmem:$0x1D400] =	vst v63  }
0x96: {  	_ =	swait.ge [sflag:s31], $0x4000  }
0x97: {  	[sflag:s31] =	ssyncset.done $0x0  }
0x98: {  	s3 =	simm.s32 @p0 $0x9400;
	s10 =	simm.s32 @p0 $0x0;
	[sflag:s31] =	ssyncadd.s32 $0xFFFFC000  }
0x99: {  	[hbm4b:s11+s10] =	stream.linear.scatter @p0 [tilespmem:s3], [sflag:$0x8], $0x4000, $0x38;
	[tilespmem:$0x1D400] =	vst v63  }
0x9a: {  	s3 =	sshra.s32 @!p0 s28, $0x2  }
0x9b: {  	s10 =	simm.s32 @!p0 $0x9400;
	s3 =	sadd.s32 @!p0 $0x2480, s3  }
0x9c: {  	[hbm4b:s4+s13] =	stream.indirect.scatter @!p0 [tilespmem:s10], [sflag:$0x8], $0x80, s3, s13, $0xb8;
	[tilespmem:$0x1D400] =	vst v63  }
0x9d: {  	s28 =	simm.s32 @p0 $0xC00;
	_ =	swait.ge [sflag:s6], $0x4000  }
0x9e: {  	s13 =	sshra.s32 s28, $0x2;
	[sflag:s6] =	ssyncset.done $0x0  }
0x9f: {  	s29 =	sadd.s32 $0xFFFFFF80, s13;
	[sflag:s6] =	ssyncadd.s32 $0xFFFFC000  }
0xa0: {  	[tilespmem:s24], [sflag:$0x2] =	stream.indirect.gather [hbm4b:s2+s21], $0x80, s29, s21, $0xb8;
	[tilespmem:$0x1D400] =	vst v63  }
.Ltmp3:
0xa1: {  	_ = 	snop;
	(pc) =	sbr.rel .LBB2_6-.Ltmp3, $4  }
0xa2: {  	_ =	swait.ge [sflag:s8], $0x4000  }
0xa3: {  	[sflag:s8] =	ssyncset.done $0x0  }
0xa4: {  	s3 =	sadd.s32 $0x2500, s13;
	[sflag:s8] =	ssyncadd.s32 $0xFFFFC000  }
0xa5: {  	[hbm4b:s4+s21] =	stream.indirect.scatter [tilespmem:s26], [sflag:$0x9], $0x80, s3, s21, $0xb8;
	[tilespmem:$0x1D400] =	vst v63  }
.LBB2_12:
0xa6: {  	s28 =	simm.s32 $0x0;
	s3 =	rddreg [dreg:$0xd]  }
0xa7: {  	[hbm4b:s3+s28] =	stream.linear.scatter [tilespmem:s22], [sflag:$0x7], $0x4000, $0x38;
	[tilespmem:$0x1D400] =	vst v63  }
0xa8: {  	_ =	swait.ge [sflag:s25], $0x4000  }
0xa9: {  	[sflag:s25] =	ssyncset.done $0x0  }
0xaa: {  	s29 =	simm.s32 $0x5300;
	[sflag:s25] =	ssyncadd.s32 $0xFFFFC000  }
0xab: {  	[tilespmem:s22], [sflag:$0x1] =	stream.indirect.gather [hbm4b:s2+s21], $0x80, s29, s21, $0xb8;
	[tilespmem:$0x1D400] =	vst v63  }
0xac: {  	_ =	swait.ge [sflag:s31], $0x4000  }
0xad: {  	[sflag:s31] =	ssyncset.done $0x0  }
0xae: {  	s10 =	rddreg [dreg:$0xe];
	[sflag:s31] =	ssyncadd.s32 $0xFFFFC000  }
0xaf: {  	[hbm4b:s10+s28] =	stream.linear.scatter [tilespmem:s24], [sflag:$0x8], $0x4000, $0x38;
	[tilespmem:$0x1D400] =	vst v63  }
0xb0: {  	_ =	swait.ge [sflag:s6], $0x4000  }
0xb1: {  	[sflag:s6] =	ssyncset.done $0x0  }
0xb2: {  	s13 =	simm.s32 $0x5380;
	[sflag:s6] =	ssyncadd.s32 $0xFFFFC000  }
0xb3: {  	[tilespmem:s24], [sflag:$0x2] =	stream.indirect.gather [hbm4b:s2+s21], $0x80, s13, s21, $0xb8;
	[tilespmem:$0x1D400] =	vst v63  }
0xb4: {  	_ =	swait.ge [sflag:s8], $0x4000  }
0xb5: {  	[sflag:s8] =	ssyncset.done $0x0  }
0xb6: {  	s29 =	rddreg [dreg:$0xf];
	[sflag:s8] =	ssyncadd.s32 $0xFFFFC000  }
0xb7: {  	[hbm4b:s29+s28] =	stream.linear.scatter [tilespmem:s26], [sflag:$0x9], $0x4000, $0x38;
	[tilespmem:$0x1D400] =	vst v63  }
.LBB2_6:
0xb8: {  	_ =	swait.ge [sflag:s18], $0x4000  }
0xb9: {  	[sflag:s18] =	ssyncset.done $0x0  }
0xba: {  	s10 =	sshra.s32 s28, $0x2;
	[sflag:s18] =	ssyncadd.s32 $0xFFFFC000  }
0xbb: {  	[tilespmem:s26], [sflag:$0x3] =	stream.indirect.gather [hbm4b:s2+s21], $0x80, s10, s21, $0xb8;
	[tilespmem:$0x1D400] =	vst v63  }
0xbc: {  	p0 =	sne.s32 s9, $0x0;
	_ =	swait.ge [sflag:s20], $0x4000  }
0xbd: {  	s28 =	sshra.s32 @p0 s28, $0x2;
	s13 =	simm.s32 @p0 $0x80;
	[sflag:s20] =	ssyncset.done $0x0  }
0xbe: {  	s29 =	simm.s32 @p0 $0x11400;
	s3 =	sadd.s32 @p0 $0x2580, s28;
	[sflag:s20] =	ssyncadd.s32 $0xFFFFC000  }
0xbf: {  	[hbm4b:s4+s13] =	stream.indirect.scatter @p0 [tilespmem:s29], [sflag:$0xA], $0x80, s3, s13, $0xb8;
	[tilespmem:$0x1D400] =	vst v63  }
0xc0: {  	s3 =	simm.s32 @!p0 $0x0;
	s13 =	simm.s32 @!p0 $0x11400  }
0xc1: {  	[hbm4b:s14+s3] =	stream.linear.scatter @!p0 [tilespmem:s13], [sflag:$0xA], $0x4000, $0x38;
	[tilespmem:$0x1D400] =	vst v63  }
0xc2: {  	_ =	swait.ge [sflag:s16], $0x4000  }
0xc3: {  	s29 =	simm.s32 $0x11400;
	[sflag:s16] =	ssyncset.done $0x0  }
.Ltmp4:
0xc4: {  	s13 =	sadd.s32 $0x80, s10;
	[sflag:s16] =	ssyncadd.s32 $0xFFFFC000;
	(pc) =	sbr.rel @!p0 .LBB2_7-.Ltmp4, $4  }
0xc5: {  	[tilespmem:s29], [sflag:$0x4] =	stream.indirect.gather [hbm4b:s2+s21], $0x80, s13, s21, $0xb8;
	[tilespmem:$0x1D400] =	vst v63  }
0xc6: {  	_ =	swait.ge [sflag:s17], $0x4000  }
0xc7: {  	[sflag:s17] =	ssyncset.done $0x0  }
0xc8: {  	[sflag:s17] =	ssyncadd.s32 $0xFFFFC000  }
0xc9: {  	p1 =	seq.s32 s9, $0xD  }
.Ltmp5:
0xca: {  	_ = 	snop;
	(pc) =	sbr.rel @!p1 .LBB2_9-.Ltmp5, $3  }
0xcb: {  	_ =	sdelay $0x1  }
0xcc: {  	s3 =	sadd.s32 $0x2600, s10  }
0xcd: {  	[hbm4b:s4+s21] =	stream.indirect.scatter [tilespmem:s30], [sflag:$0xB], $0x80, s3, s21, $0xb8;
	[tilespmem:$0x1D400] =	vst v63  }
0xce: {  	_ =	swait.ge [sflag:s0], $0x4000  }
0xcf: {  	[sflag:s0] =	ssyncset.done $0x0  }
0xd0: {  	s3 =	sadd.s32 $0x2680, s10;
	s5 =	simm.s32 $0x19400;
	[sflag:s0] =	ssyncadd.s32 $0xFFFFC000  }
0xd1: {  	[hbm4b:s4+s21] =	stream.indirect.scatter [tilespmem:s5], [sflag:$0xC], $0x80, s3, s21, $0xb8;
	[tilespmem:$0x1D400] =	vst v63  }
0xd2: {  	_ =	swait.ge [sflag:s23], $0x4000  }
0xd3: {  	[sflag:s23] =	ssyncset.done $0x0  }
0xd4: {  	s7 =	simm.s32 $0x4E00;
	[sflag:s23] =	ssyncadd.s32 $0xFFFFC000  }
0xd5: {  	[hbm4b:s4+s21] =	stream.indirect.scatter [tilespmem:s22], [sflag:$0x7], $0x80, s7, s21, $0xb8;
	[tilespmem:$0x1D400] =	vst v63  }
0xd6: {  	_ =	swait.ge [sflag:s31], $0x4000  }
0xd7: {  	[sflag:s31] =	ssyncset.done $0x0  }
0xd8: {  	s9 =	simm.s32 $0x4E80;
	[sflag:s31] =	ssyncadd.s32 $0xFFFFC000  }
0xd9: {  	[hbm4b:s4+s21] =	stream.indirect.scatter [tilespmem:s24], [sflag:$0x8], $0x80, s9, s21, $0xb8;
	[tilespmem:$0x1D400] =	vst v63  }
0xda: {  	_ =	swait.ge [sflag:s8], $0x4000  }
0xdb: {  	[sflag:s8] =	ssyncset.done $0x0  }
0xdc: {  	s10 =	simm.s32 $0x4F00;
	[sflag:s8] =	ssyncadd.s32 $0xFFFFC000  }
0xdd: {  	[hbm4b:s4+s21] =	stream.indirect.scatter [tilespmem:s26], [sflag:$0x9], $0x80, s10, s21, $0xb8;
	[tilespmem:$0x1D400] =	vst v63  }
0xde: {  	_ =	swait.ge [sflag:s20], $0x4000  }
0xdf: {  	[sflag:s20] =	ssyncset.done $0x0  }
0xe0: {  	s12 =	simm.s32 $0x11400;
	s13 =	simm.s32 $0x4F80;
	[sflag:s20] =	ssyncadd.s32 $0xFFFFC000  }
0xe1: {  	[hbm4b:s4+s21] =	stream.indirect.scatter [tilespmem:s12], [sflag:$0xA], $0x80, s13, s21, $0xb8;
	[tilespmem:$0x1D400] =	vst v63  }
0xe2: {  	_ =	swait.ge [sflag:s25], $0x4000  }
0xe3: {  	[sflag:s25] =	ssyncset.done $0x0  }
0xe4: {  	[sflag:s25] =	ssyncadd.s32 $0xFFFFC000  }
0xe5: {  	_ =	swait.ge [sflag:s6], $0x4000  }
0xe6: {  	[sflag:s6] =	ssyncset.done $0x0  }
0xe7: {  	[sflag:s6] =	ssyncadd.s32 $0xFFFFC000  }
0xe8: {  	_ =	swait.ge [sflag:s18], $0x4000  }
0xe9: {  	[sflag:s18] =	ssyncset.done $0x0  }
0xea: {  	[sflag:s18] =	ssyncadd.s32 $0xFFFFC000  }
0xeb: {  	_ =	swait.ge [sflag:s16], $0x4000  }
0xec: {  	[sflag:s16] =	ssyncset.done $0x0  }
0xed: {  	[sflag:s16] =	ssyncadd.s32 $0xFFFFC000  }
0xee: {  	_ =	swait.ge [sflag:s1], $0x4000  }
0xef: {  	[sflag:s1] =	ssyncset.done $0x0  }
0xf0: {  	[sflag:s1] =	ssyncadd.s32 $0xFFFFC000  }
0xf1: {  	_ =	swait.ge [sflag:s19], $0x4000  }
0xf2: {  	s28 =	rddreg [dreg:$0x12]  }
0xf3: {  	s29 =	rddreg [dreg:$0x10];
	s5 =	sadd.s32 $0x1, s28  }
0xf4: {  	p0 =	sne.s32 s5, s29  }
.Ltmp6:
0xf5: {  	_ = 	snop;
	(pc) =	sbr.rel @p0 .LBB2_1-.Ltmp6, $3  }
0xf6: {  	_ =	sdelay $0x1  }
0xf7: {  	[sflag:s19] =	ssyncset.done $0x0  }
0xf8: {  	s10 =	simm.s32 $0x5000;
	s12 =	simm.s32 $0x5200;
	[sflag:s19] =	ssyncadd.s32 $0xFFFFC000  }
0xf9: {  	_ =	sfence.sel $0x180000  }
0xfa: {  	[bflag:$0x0] =	sbarrier.arrive $0xFFFF  }
0xfb: {  	_ =	strace $0x90000047  }
0xfc: {  	s0 =	stileid.u32;
	[bflag:$0x2] =	sbarrier.arrive $0xFFFF  }
0xfd: {  	p0 =	sne.s32 s0, $0x0;
	s0 =	rddreg [dreg:$0x8]  }
0xfe: {  	s0 =	sadd.s32 @!p0 $0x100000, s0  }
0xff: {  	[sflag:s0] =	ssyncadd.tile.s32 @!p0 $0x1;
	_ =	shalt  }
.Lfunc_end2:
_tile_overlayer_lowered:
.L_overlay_start_2:
0x100: {  	(tag) =	ssettag $0x2  }
0x101: {  	s0 =	rddreg [dreg:$0x0];
	s2 =	stileid.u32  }
0x102: {  	s1 =	rddreg [dreg:$0x1];
	p0 =	sne.s32 s2, $0x0  }
0x103: {  	s3 =	rddreg [dreg:$0x2];
	[bflag:$0x3] =	sbarrier.arrive $0xFFFF;
	s2 =	simm.s32 @!p0 $0x1C0E  }
0x104: {  	[timem:s3], [sflag:s2] =	dma.local @!p0 [hbm:s0], s1  }
0x105: {  	s0 =	simm.s32 @!p0 $0xE  }
0x106: {  	_ =	swait.ge @!p0 [sflag:s0], s1  }
0x107: {  	s1 =	ssub.s32 @!p0 $0x0, s1;
	[sflag:s0] =	ssyncset.done @!p0 $0x0  }
0x108: {  	[sflag:s0] =	ssyncadd.s32 @!p0 s1  }
0x109: {  	[bflag:$0x3] =	sbarrier.arrive $0xFFFF  }
0x10a: {  	_ =	shalt  }

</sc_bundles>
